<compile_context>
chip_gen: v7x
topology: tpu7x:2x2x1
jax: 0.10.2.dev20260603
libtpu: 0.0.44.dev20260713+nightly
codegen_flags: <defaults>
</compile_context>

<pallas_src>
import functools
import jax
import jax.numpy as jnp
from jax import lax
from jax.experimental import pallas as pl
from jax.experimental.pallas import tpu as pltpu
from jax.experimental.pallas import tpu_sc as plsc

_NC = 2
_NS = 16
_NW = _NC * _NS


def _mesh():
    return plsc.VectorSubcoreMesh(core_axis_name="c", subcore_axis_name="s")


@functools.partial(jax.jit, static_argnames=("weighted",))
def _sc_rows_agg(h, Sidx, Tidx, w, *, weighted):
    n, D = h.shape
    E = Sidx.shape[0]
    C = 128
    assert E % C == 0 and n % _NS == 0
    nchunk_total = E // C
    rounds = (nchunk_total + _NW - 1) // _NW
    assert n % 16 == 0
    nblk = n // 16
    blk_iters = (nblk + _NS - 1) // _NS
    nD8 = D // 16

    def body(h_hbm, s_hbm, t_hbm, w_hbm, out_hbm, sidx_v, tidx_v, w_v,
             rows_v, zbuf_v, accum_sh, sem):
        cid = lax.axis_index("c")
        sid = lax.axis_index("s")
        wid = cid * _NS + sid

        zero16 = jnp.zeros((16,), jnp.float32)
        for r in range(16):
            for j in range(nD8):
                zbuf_v[r, pl.ds(j * 16, 16)] = zero16

        def zcopy(i, _):
            b = sid + i * _NS

            @pl.when(b < nblk)
            def _do():
                pltpu.sync_copy(zbuf_v, accum_sh.at[pl.ds(b * 16, 16)])

            return _

        lax.fori_loop(0, blk_iters, zcopy, 0)
        plsc.subcore_barrier()

        def chunk(i, _):
            ck = wid + i * _NW

            @pl.when(ck < nchunk_total)
            def _do():
                base = ck * C
                pltpu.sync_copy(s_hbm.at[pl.ds(base, C)], sidx_v)
                pltpu.sync_copy(t_hbm.at[pl.ds(base, C)], tidx_v)
                pltpu.async_copy(h_hbm.at[sidx_v], rows_v, sem).wait()
                if weighted:
                    pltpu.sync_copy(w_hbm.at[pl.ds(base, C)], w_v)
                    for b in range(C // 16):
                        w16 = w_v[pl.ds(b * 16, 16)]
                        for l in range(16):
                            r = b * 16 + l
                            ws = w16[l]
                            for j in range(nD8):
                                sl = pl.ds(j * 16, 16)
                                rows_v[r, sl] = rows_v[r, sl] * ws
                pltpu.sync_copy(rows_v, accum_sh.at[tidx_v], add=True)

            return _

        lax.fori_loop(0, rounds, chunk, 0)
        plsc.subcore_barrier()

        def wb(i, _):
            b = sid + i * _NS

            @pl.when(b < nblk)
            def _do():
                sl = pl.ds(b * 16, 16)
                pltpu.sync_copy(accum_sh.at[sl], zbuf_v)
                pltpu.sync_copy(zbuf_v, out_hbm.at[cid].at[sl])

            return _

        lax.fori_loop(0, blk_iters, wb, 0)

    f = pl.kernel(
        body,
        out_type=jax.ShapeDtypeStruct((_NC, n, D), jnp.float32),
        mesh=_mesh(),
        scratch_types=[
            pltpu.VMEM((C,), jnp.int32),
            pltpu.VMEM((C,), jnp.int32),
            pltpu.VMEM((C,), jnp.float32),
            pltpu.VMEM((C, D), jnp.float32),
            pltpu.VMEM((16, D), jnp.float32),
            pltpu.VMEM_SHARED((n, D), jnp.float32),
            pltpu.SemaphoreType.DMA,
        ],
    )
    return f(h, Sidx, Tidx, w)


def _scalar_accum_helpers(n):
    base_len = (n // (16 * 128)) * 128
    last_len = n - 15 * base_len
    return base_len, last_len


@functools.partial(jax.jit, static_argnames=("stage2",))
def _sc_att(aP, bP, Sg, Tg, Tsc, rprev, exprev, v1, *, stage2):
    n = aP.shape[0]
    E = Sg.shape[0]
    per_w = E // _NW
    C = 80
    assert E % _NW == 0 and per_w % C == 0
    nchunks = per_w // C
    base_len, last_len = _scalar_accum_helpers(n)

    def body(a_hbm, b_hbm, sg_hbm, tg_hbm, tsc_hbm, r_hbm, exp_hbm, v1_hbm,
             ex_hbm, den_hbm, sgi_v, tgi_v, tsi_v, as_v, bs_v, rt_v, exi_v,
             v1_v, ex_v, sct_v, zbuf_v, accum_sh, sem):
        cid = lax.axis_index("c")
        sid = lax.axis_index("s")
        wid = cid * _NS + sid
        base_w = wid * per_w

        zero16 = jnp.zeros((16,), jnp.float32)
        for j in range(max(base_len, last_len) // 16):
            zbuf_v[pl.ds(j * 16, 16)] = zero16

        abase = sid * base_len

        @pl.when(sid < 15)
        def _z0():
            pltpu.sync_copy(zbuf_v.at[pl.ds(0, base_len)],
                            accum_sh.at[pl.ds(abase, base_len)])

        @pl.when(sid == 15)
        def _z1():
            pltpu.sync_copy(zbuf_v.at[pl.ds(0, last_len)],
                            accum_sh.at[pl.ds(15 * base_len, last_len)])

        plsc.subcore_barrier()

        def chunk(i, _):
            base = base_w + i * C
            pltpu.sync_copy(sg_hbm.at[pl.ds(base, C)], sgi_v)
            pltpu.sync_copy(tg_hbm.at[pl.ds(base, C)], tgi_v)
            pltpu.sync_copy(tsc_hbm.at[pl.ds(base, C)], tsi_v)
            pltpu.async_copy(a_hbm.at[sgi_v], as_v, sem).wait()
            pltpu.async_copy(b_hbm.at[tgi_v], bs_v, sem).wait()
            if stage2:
                pltpu.async_copy(r_hbm.at[tgi_v], rt_v, sem).wait()
                pltpu.sync_copy(exp_hbm.at[pl.ds(base, C)], exi_v)
                pltpu.sync_copy(v1_hbm.at[pl.ds(base, C)], v1_v)
            for k in range(C // 16):
                sl = pl.ds(k * 16, 16)
                s = as_v[sl] + bs_v[sl]
                logit = jnp.maximum(s, 0.2 * s)
                if stage2:
                    logit = logit + exi_v[sl] * rt_v[sl]
                else:
                    logit = logit + 1.0
                e = jnp.exp(logit)
                ex_v[sl] = e
                sct_v[sl] = e * v1_v[sl] if stage2 else e
            pltpu.sync_copy(ex_v, ex_hbm.at[pl.ds(base, C)])
            pltpu.sync_copy(sct_v, accum_sh.at[tsi_v], add=True)
            return _

        lax.fori_loop(0, nchunks, chunk, 0)
        plsc.subcore_barrier()

        @pl.when(sid < 15)
        def _w0():
            pltpu.sync_copy(accum_sh.at[pl.ds(abase, base_len)],
                            zbuf_v.at[pl.ds(0, base_len)])
            pltpu.sync_copy(zbuf_v.at[pl.ds(0, base_len)],
                            den_hbm.at[cid].at[pl.ds(abase, base_len)])

        @pl.when(sid == 15)
        def _w1():
            pltpu.sync_copy(accum_sh.at[pl.ds(15 * base_len, last_len)],
                            zbuf_v.at[pl.ds(0, last_len)])
            pltpu.sync_copy(zbuf_v.at[pl.ds(0, last_len)],
                            den_hbm.at[cid].at[pl.ds(15 * base_len, last_len)])

    zlen = 16 * ((max(*_scalar_accum_helpers(n)) + 15) // 16)
    f = pl.kernel(
        body,
        out_type=(jax.ShapeDtypeStruct((E,), jnp.float32),
                  jax.ShapeDtypeStruct((_NC, n), jnp.float32)),
        mesh=_mesh(),
        scratch_types=[
            pltpu.VMEM((C,), jnp.int32),
            pltpu.VMEM((C,), jnp.int32),
            pltpu.VMEM((C,), jnp.int32),
            pltpu.VMEM((C,), jnp.float32),
            pltpu.VMEM((C,), jnp.float32),
            pltpu.VMEM((C,), jnp.float32),
            pltpu.VMEM((C,), jnp.float32),
            pltpu.VMEM((C,), jnp.float32),
            pltpu.VMEM((C,), jnp.float32),
            pltpu.VMEM((C,), jnp.float32),
            pltpu.VMEM((zlen,), jnp.float32),
            pltpu.VMEM_SHARED((n,), jnp.float32),
            pltpu.SemaphoreType.DMA,
        ],
    )
    return f(aP, bP, Sg, Tg, Tsc, rprev, exprev, v1)


@functools.partial(jax.jit, static_argnames=("n",))
def _sc_count(Tidx, n):
    E = Tidx.shape[0]
    per_w = E // _NW
    C = 80
    assert E % _NW == 0 and per_w % C == 0
    nchunks = per_w // C
    base_len, last_len = _scalar_accum_helpers(n)

    def body(t_hbm, out_hbm, tidx_v, ones_v, zbuf_v, accum_sh):
        cid = lax.axis_index("c")
        sid = lax.axis_index("s")
        wid = cid * _NS + sid
        base_w = wid * per_w

        zero16 = jnp.zeros((16,), jnp.float32)
        one16 = jnp.ones((16,), jnp.float32)
        for j in range(C // 16):
            ones_v[pl.ds(j * 16, 16)] = one16
        for j in range(max(base_len, last_len) // 16):
            zbuf_v[pl.ds(j * 16, 16)] = zero16

        abase = sid * base_len

        @pl.when(sid < 15)
        def _z0():
            pltpu.sync_copy(zbuf_v.at[pl.ds(0, base_len)],
                            accum_sh.at[pl.ds(abase, base_len)])

        @pl.when(sid == 15)
        def _z1():
            pltpu.sync_copy(zbuf_v.at[pl.ds(0, last_len)],
                            accum_sh.at[pl.ds(15 * base_len, last_len)])

        plsc.subcore_barrier()

        def chunk(i, _):
            base = base_w + i * C
            pltpu.sync_copy(t_hbm.at[pl.ds(base, C)], tidx_v)
            pltpu.sync_copy(ones_v, accum_sh.at[tidx_v], add=True)
            return _

        lax.fori_loop(0, nchunks, chunk, 0)
        plsc.subcore_barrier()

        @pl.when(sid < 15)
        def _w0():
            pltpu.sync_copy(accum_sh.at[pl.ds(abase, base_len)],
                            zbuf_v.at[pl.ds(0, base_len)])
            pltpu.sync_copy(zbuf_v.at[pl.ds(0, base_len)],
                            out_hbm.at[cid].at[pl.ds(abase, base_len)])

        @pl.when(sid == 15)
        def _w1():
            pltpu.sync_copy(accum_sh.at[pl.ds(15 * base_len, last_len)],
                            zbuf_v.at[pl.ds(0, last_len)])
            pltpu.sync_copy(zbuf_v.at[pl.ds(0, last_len)],
                            out_hbm.at[cid].at[pl.ds(15 * base_len, last_len)])

    zlen = 16 * ((max(base_len, last_len) + 15) // 16)
    f = pl.kernel(
        body,
        out_type=jax.ShapeDtypeStruct((_NC, n), jnp.float32),
        mesh=_mesh(),
        scratch_types=[
            pltpu.VMEM((C,), jnp.int32),
            pltpu.VMEM((C,), jnp.float32),
            pltpu.VMEM((zlen,), jnp.float32),
            pltpu.VMEM_SHARED((n,), jnp.float32),
        ],
    )
    return f(Tidx)


@functools.partial(jax.jit, static_argnames=("k",))
def _tc_topk_threshold(msc_pad, k):
    R, L = msc_pad.shape

    def body(v_ref, tau_ref, idx_ref):
        v = v_ref[...]
        lo = jnp.min(v)
        hi = jnp.max(v)

        def it(_, carry):
            lo, hi = carry
            mid = 0.5 * (lo + hi)
            cnt = jnp.sum((v >= mid).astype(jnp.float32))
            pred = cnt >= k
            return jnp.where(pred, mid, lo), jnp.where(pred, hi, mid)

        lo, hi = lax.fori_loop(0, 45, it, (lo, hi))
        tau_ref[...] = jnp.reshape(lo, (1, 1))
        mx = jnp.max(v)
        row = lax.broadcasted_iota(jnp.int32, (R, L), 0)
        col = lax.broadcasted_iota(jnp.int32, (R, L), 1)
        flat = row * L + col
        idx_ref[...] = jnp.reshape(jnp.min(jnp.where(v == mx, flat, R * L)),
                                   (1, 1))

    return pl.pallas_call(
        body,
        out_shape=(jax.ShapeDtypeStruct((1, 1), jnp.float32),
                   jax.ShapeDtypeStruct((1, 1), jnp.int32)),
    )(msc_pad)


def _mm_bias(X, W, b):
    n, d = X.shape
    m = W.shape[1]
    blk = 1000
    assert n % blk == 0

    def body(x_ref, w_ref, b_ref, o_ref):
        o_ref[...] = jnp.dot(x_ref[...], w_ref[...],
                             preferred_element_type=jnp.float32) + b_ref[...]

    return pl.pallas_call(
        body,
        grid=(n // blk,),
        in_specs=[
            pl.BlockSpec((blk, d), lambda i: (i, 0)),
            pl.BlockSpec((d, m), lambda i: (0, 0)),
            pl.BlockSpec((1, m), lambda i: (0, 0)),
        ],
        out_specs=pl.BlockSpec((blk, m), lambda i: (i, 0)),
        out_shape=jax.ShapeDtypeStruct((n, m), jnp.float32),
    )(X, W, b.reshape(1, m))


def _seg_sum_rows(h, Sidx, Tidx, w, n):
    weighted = w is not None
    if not weighted:
        w = jnp.zeros((1,), h.dtype)
        w = jnp.broadcast_to(w, (Sidx.shape[0],))
    p = _sc_rows_agg(h, Sidx, Tidx, w, weighted=weighted)
    return p[0] + p[1]


def kernel(x, edge_index, batch, W1, b1, W2, b2, W3, b3, att1, att2,
           Wl1, bl1, Wl2, bl2, Wl3, bl3):
    n = x.shape[0]
    k1 = n // 2
    k2 = k1 // 2
    src = edge_index[0]
    dst = edge_index[1]
    f32 = x.dtype

    def readout(xn, k):
        return jnp.concatenate([jnp.max(xn, axis=0), jnp.sum(xn, axis=0) / k])[None, :]

    def topk_sel(score, k, sel_prev):
        msc = score if sel_prev is None else jnp.where(sel_prev, score, -1.0)
        npad = ((n + 127) // 128) * 128
        mp = jnp.pad(msc, (0, npad - n), constant_values=-3.0)
        tau, n0 = _tc_topk_threshold(mp.reshape(npad // 128, 128), k)
        return msc >= tau[0, 0], n0[0, 0]

    cnt_p = _sc_count(dst, n)
    cnt = cnt_p[0] + cnt_p[1]
    dinv = jax.lax.rsqrt(jnp.maximum(cnt + 1.0, 1.0))
    g = dinv[:, None] * _mm_bias(x, W1, b1)
    aggA = _seg_sum_rows(g, src, dst, None, n)
    h0 = jax.nn.relu(dinv[:, None] * (aggA + g))

    agg1 = _seg_sum_rows(h0, src, dst, None, n) \
        / jnp.maximum(cnt, 1e-9)[:, None]
    score1 = jnp.abs(h0 - agg1).sum(-1)
    sel1, n01 = topk_sel(score1, k1, None)
    xn1 = jnp.where(sel1[:, None], h0 * jnp.tanh(score1)[:, None], 0.0)
    x1 = readout(xn1, k1)

    NEG = jnp.float32(-1e9)
    nh = xn1.shape[1]
    ab1 = _mm_bias(xn1, jnp.stack([att1[:nh], att1[nh:]], axis=1),
                   jnp.zeros((2,), f32))
    aP1 = jnp.where(sel1, ab1[:, 0], NEG)
    bP1 = jnp.where(sel1, ab1[:, 1], NEG)
    zeros_e = jnp.zeros((src.shape[0],), f32)
    ex1, den1_p = _sc_att(aP1, bP1, src, dst, dst, aP1, zeros_e, zeros_e,
                          stage2=False)
    den1 = den1_p[0] + den1_p[1]
    r1 = 1.0 / jnp.maximum(den1, 1e-16)
    valid1 = ex1 > 0.0

    h2in = _mm_bias(xn1, W2, b2)
    degw2 = den1 * r1 + 1.0
    aggw2 = r1[:, None] * _seg_sum_rows(h2in, src, dst, ex1, n) + h2in
    h1 = jax.nn.relu(aggw2 / degw2[:, None])

    degp2 = den1 * r1
    aggp2 = r1[:, None] * _seg_sum_rows(h1, src, dst, ex1, n) \
        / jnp.maximum(degp2, 1e-9)[:, None]
    score2 = jnp.abs(h1 - aggp2).sum(-1)
    sel2, _ = topk_sel(score2, k2, sel1)
    xn2 = jnp.where(sel2[:, None], h1 * jnp.tanh(score2)[:, None], 0.0)
    x2 = readout(xn2, k2)

    ab2 = _mm_bias(xn2, jnp.stack([att2[:nh], att2[nh:]], axis=1),
                   jnp.zeros((2,), f32))
    aP2 = jnp.where(sel2, ab2[:, 0], NEG)
    bP2 = jnp.where(sel2, ab2[:, 1], NEG)
    v1f = valid1.astype(f32)
    s_art = aP2[n01] + bP2[n01]
    ex2_art = jnp.exp(jnp.maximum(s_art, 0.2 * s_art))
    ex2k, den2_p = _sc_att(aP2, bP2, src, dst, dst, r1, ex1, v1f, stage2=True)
    ex2 = jnp.where(valid1, ex2k, ex2_art)
    csum = (src.shape[0] - jnp.sum(v1f)) * ex2_art
    den2 = (den2_p[0] + den2_p[1]).at[n01].add(csum)
    r2 = 1.0 / jnp.maximum(den2, 1e-16)

    h3 = _mm_bias(xn2, W3, b3)
    degw3 = den2 * r2 + 1.0
    w3m = jnp.where(valid1, ex2, 0.0)
    agg3 = _seg_sum_rows(h3, src, dst, w3m, n).at[n01].add(csum * h3[n01])
    agg3 = r2[:, None] * agg3 + h3
    h2 = jnp.where(sel2[:, None], jax.nn.relu(agg3 / degw3[:, None]), 0.0)
    x3 = readout(h2, k2)

    xr = jax.nn.relu(x1) + jax.nn.relu(x2) + jax.nn.relu(x3)
    xr = jax.nn.relu(xr @ Wl1 + bl1)
    xr = jax.nn.relu(xr @ Wl2 + bl2)
    return jax.nn.log_softmax(xr @ Wl3 + bl3, axis=-1)

# --- scband reference (transcript-rebuilt; emitter-appended) ---
"""Pipeline reference for scband-client-hgpslpool-7997229105404 (READ-ONLY COPY).

The authoritative reference and input builder live on the scoring server;
editing this copy changes nothing except your own understanding.
"""

import jax, jax.numpy as jnp
import numpy as np

N = 10000
E = 320000
D = 128
NH = 128
NC = 10


def gcn_conv(x, edge_index, W, b):
    n = x.shape[0]
    src = edge_index[0]
    dst = edge_index[1]
    loop = jnp.arange(n, dtype=src.dtype)
    src2 = jnp.concatenate([src, loop])
    dst2 = jnp.concatenate([dst, loop])
    deg = jnp.zeros((n,), x.dtype).at[dst2].add(1.0)
    dinv = jax.lax.rsqrt(jnp.maximum(deg, 1.0))
    h = x @ W + b
    coef = dinv[src2] * dinv[dst2]
    out = jnp.zeros_like(h).at[dst2].add(h[src2] * coef[:, None])
    return out


def gcn_weighted(x, edge_index, ew, W, b):
    n = x.shape[0]
    src = edge_index[0]
    dst = edge_index[1]
    h = x @ W + b
    deg = jnp.zeros((n,), x.dtype).at[dst].add(ew) + 1.0
    agg = jnp.zeros_like(h).at[dst].add(h[src] * ew[:, None]) + h
    return agg / deg[:, None]


def hgpsl_pool(x, edge_index, ew, att, k, lamb):
    n = x.shape[0]
    src = edge_index[0]
    dst = edge_index[1]
    deg = jnp.zeros((n,), x.dtype).at[dst].add(ew)
    agg = jnp.zeros_like(x).at[dst].add(x[src] * ew[:, None])
    agg = agg / jnp.maximum(deg, 1e-9)[:, None]
    score = jnp.abs(x - agg).sum(-1)
    topv, perm = jax.lax.top_k(score, k)
    xn = x[perm] * jnp.tanh(topv)[:, None]
    old2new = jnp.full((n,), -1, jnp.int32).at[perm].set(jnp.arange(k, dtype=jnp.int32))
    ns = old2new[src]
    nd = old2new[dst]
    valid = (ns >= 0) & (nd >= 0)
    vm = valid.astype(x.dtype)
    ns = jnp.where(valid, ns, 0)
    nd = jnp.where(valid, nd, 0)
    feat = jnp.concatenate([xn[ns], xn[nd]], axis=-1)
    logits = jax.nn.leaky_relu(feat @ att, 0.2) + lamb * ew
    logits = jnp.where(valid, logits, -1e9)
    mx = jnp.maximum(jax.ops.segment_max(logits, nd, num_segments=k), -1e9)
    ex = jnp.exp(logits - mx[nd]) * vm
    den = jax.ops.segment_sum(ex, nd, num_segments=k)
    new_ew = ex / jnp.maximum(den[nd], 1e-16)
    return xn, jnp.stack([ns, nd]), new_ew, perm


def readout(x, batch, num_graphs):
    mx = jax.ops.segment_max(x, batch, num_segments=num_graphs)
    sm = jax.ops.segment_sum(x, batch, num_segments=num_graphs)
    cnt = jax.ops.segment_sum(jnp.ones((x.shape[0],), x.dtype), batch, num_segments=num_graphs)
    mean = sm / jnp.maximum(cnt, 1.0)[:, None]
    return jnp.concatenate([mx, mean], axis=-1)


def forward(x, edge_index, batch, W1, b1, W2, b2, W3, b3, att1, att2, Wl1, bl1, Wl2, bl2, Wl3, bl3):
    n = x.shape[0]
    k1 = n // 2
    k2 = k1 // 2
    h = jax.nn.relu(gcn_conv(x, edge_index, W1, b1))
    ew0 = jnp.ones((edge_index.shape[1],), x.dtype)
    h1, ei1, ew1, perm1 = hgpsl_pool(h, edge_index, ew0, att1, k1, 1.0)
    b_1 = batch[perm1]
    x1 = readout(h1, b_1, 1)
    h = jax.nn.relu(gcn_weighted(h1, ei1, ew1, W2, b2))
    h2, ei2, ew2, perm2 = hgpsl_pool(h, ei1, ew1, att2, k2, 1.0)
    b_2 = b_1[perm2]
    x2 = readout(h2, b_2, 1)
    h = jax.nn.relu(gcn_weighted(h2, ei2, ew2, W3, b3))
    x3 = readout(h, b_2, 1)
    xr = jax.nn.relu(x1) + jax.nn.relu(x2) + jax.nn.relu(x3)
    xr = jax.nn.relu(xr @ Wl1 + bl1)
    xr = jax.nn.relu(xr @ Wl2 + bl2)
    return jax.nn.log_softmax(xr @ Wl3 + bl3, axis=-1)


def setup_inputs(seed: int = 0):
    key = jax.random.key(seed)
    ks = jax.random.split(key, 12)
    s = 0.05
    x = jax.random.normal(ks[0], (N, D), jnp.float32)
    edge_index = jax.random.randint(ks[1], (2, E), 0, N, dtype=jnp.int32)
    batch = jnp.zeros((N,), jnp.int32)
    W1 = jax.random.normal(ks[2], (D, NH), jnp.float32) * s
    b1 = jnp.zeros((NH,), jnp.float32)
    W2 = jax.random.normal(ks[3], (NH, NH), jnp.float32) * s
    b2 = jnp.zeros((NH,), jnp.float32)
    W3 = jax.random.normal(ks[4], (NH, NH), jnp.float32) * s
    b3 = jnp.zeros((NH,), jnp.float32)
    att1 = jax.random.normal(ks[5], (2 * NH,), jnp.float32) * s
    att2 = jax.random.normal(ks[6], (2 * NH,), jnp.float32) * s
    Wl1 = jax.random.normal(ks[7], (2 * NH, NH), jnp.float32) * s
    bl1 = jnp.zeros((NH,), jnp.float32)
    Wl2 = jax.random.normal(ks[8], (NH, NH // 2), jnp.float32) * s
    bl2 = jnp.zeros((NH // 2,), jnp.float32)
    Wl3 = jax.random.normal(ks[9], (NH // 2, NC), jnp.float32) * s
    bl3 = jnp.zeros((NC,), jnp.float32)
    return {"x": x, "edge_index": edge_index, "batch": batch, "W1": W1, "b1": b1, "W2": W2, "b2": b2, "W3": W3, "b3": b3, "att1": att1, "att2": att2, "Wl1": Wl1, "bl1": bl1, "Wl2": Wl2, "bl2": bl2, "Wl3": Wl3, "bl3": bl3}


def reference(x, edge_index, batch, W1, b1, W2, b2, W3, b3, att1, att2, Wl1, bl1, Wl2, bl2, Wl3, bl3):
    return forward(x, edge_index, batch, W1, b1, W2, b2, W3, b3, att1, att2, Wl1, bl1, Wl2, bl2, Wl3, bl3)

if __name__ == "__main__":
    import jax
    _d = setup_inputs()
    print(jax.jit(kernel)(*tuple(_d.values())))

</pallas_src>

<mosaic_0001>
#map = affine_map<(d0, d1) -> (0)>
#map1 = affine_map<(d0, d1) -> (0, 0)>
module attributes {stable_mosaic.version = 14 : i64} {
  func.func @body(%arg0: i32, %arg1: i32, %arg2: memref<320000xi32, #tpu.memory_space<hbm>>, %arg3: memref<2x10000xf32, #tpu.memory_space<hbm>>, %arg4: memref<80xi32, #tpu.memory_space<vmem>>, %arg5: memref<80xf32, #tpu.memory_space<vmem>>, %arg6: memref<2320xf32, #tpu.memory_space<vmem>>, %arg7: memref<10000xf32, #tpu.memory_space<vmem_shared>>) attributes {dimension_semantics = [#tpu.dimension_semantics<core_parallel>, #tpu.dimension_semantics<subcore_parallel>], iteration_bounds = array<i64: 2, 16>, scalar_prefetch = 0 : i64, scratch_operands = 4 : i64, tpu.core_type = #tpu.core_type<sc_vector_subcore>, window_params = [{transform_indices = #map}, {transform_indices = #map1}]} {
    %mul3A = arith.constant 16 : i32
    %mul3A_0 = arith.muli %arg0, %mul3A : i32
    %add3A = arith.addi %mul3A_0, %arg1 : i32
    %mul3A_1 = arith.constant 10000 : i32
    %mul3A_2 = arith.muli %add3A, %mul3A_1 : i32
    %broadcast_in_dim3A = arith.constant 0.000000e+00 : f32
    %broadcast_in_dim3A_3 = vector.broadcast %broadcast_in_dim3A : f32 to vector<16xf32>
    %broadcast_in_dim3A_4 = arith.constant 1.000000e+00 : f32
    %broadcast_in_dim3A_5 = vector.broadcast %broadcast_in_dim3A_4 : f32 to vector<16xf32>
    %swap3A = arith.constant 0 : index
    %swap3A_6 = tpu.vector_load %arg5[%swap3A] {strides = array<i32>} : memref<80xf32, #tpu.memory_space<vmem>>, vector<16xf32>,
    %swap3A_7 = vector.shape_cast %swap3A_6 : vector<16xf32> to vector<16xf32>
    %swap3A_8 = vector.shape_cast %broadcast_in_dim3A_5 : vector<16xf32> to vector<16xf32>
    tpu.vector_store %arg5[%swap3A], %swap3A_8 {strides = array<i32>} : memref<80xf32, #tpu.memory_space<vmem>>, vector<16xf32>,
    %swap3A_9 = arith.constant 16 : index
    %swap3A_10 = tpu.vector_load %arg5[%swap3A_9] {strides = array<i32>} : memref<80xf32, #tpu.memory_space<vmem>>, vector<16xf32>,
    %swap3A_11 = vector.shape_cast %swap3A_10 : vector<16xf32> to vector<16xf32>
    %swap3A_12 = vector.shape_cast %broadcast_in_dim3A_5 : vector<16xf32> to vector<16xf32>
    tpu.vector_store %arg5[%swap3A_9], %swap3A_12 {strides = array<i32>} : memref<80xf32, #tpu.memory_space<vmem>>, vector<16xf32>,
    %swap3A_13 = arith.constant 32 : index
    %swap3A_14 = tpu.vector_load %arg5[%swap3A_13] {strides = array<i32>} : memref<80xf32, #tpu.memory_space<vmem>>, vector<16xf32>,
    %swap3A_15 = vector.shape_cast %swap3A_14 : vector<16xf32> to vector<16xf32>
    %swap3A_16 = vector.shape_cast %broadcast_in_dim3A_5 : vector<16xf32> to vector<16xf32>
    tpu.vector_store %arg5[%swap3A_13], %swap3A_16 {strides = array<i32>} : memref<80xf32, #tpu.memory_space<vmem>>, vector<16xf32>,
    %swap3A_17 = arith.constant 48 : index
    %swap3A_18 = tpu.vector_load %arg5[%swap3A_17] {strides = array<i32>} : memref<80xf32, #tpu.memory_space<vmem>>, vector<16xf32>,
    %swap3A_19 = vector.shape_cast %swap3A_18 : vector<16xf32> to vector<16xf32>
    %swap3A_20 = vector.shape_cast %broadcast_in_dim3A_5 : vector<16xf32> to vector<16xf32>
    tpu.vector_store %arg5[%swap3A_17], %swap3A_20 {strides = array<i32>} : memref<80xf32, #tpu.memory_space<vmem>>, vector<16xf32>,
    %swap3A_21 = arith.constant 64 : index
    %swap3A_22 = tpu.vector_load %arg5[%swap3A_21] {strides = array<i32>} : memref<80xf32, #tpu.memory_space<vmem>>, vector<16xf32>,
    %swap3A_23 = vector.shape_cast %swap3A_22 : vector<16xf32> to vector<16xf32>
    %swap3A_24 = vector.shape_cast %broadcast_in_dim3A_5 : vector<16xf32> to vector<16xf32>
    tpu.vector_store %arg5[%swap3A_21], %swap3A_24 {strides = array<i32>} : memref<80xf32, #tpu.memory_space<vmem>>, vector<16xf32>,
    %swap3A_25 = arith.constant 0 : index
    %swap3A_26 = tpu.vector_load %arg6[%swap3A_25] {strides = array<i32>} : memref<2320xf32, #tpu.memory_space<vmem>>, vector<16xf32>,
    %swap3A_27 = vector.shape_cast %swap3A_26 : vector<16xf32> to vector<16xf32>
    %swap3A_28 = vector.shape_cast %broadcast_in_dim3A_3 : vector<16xf32> to vector<16xf32>
    tpu.vector_store %arg6[%swap3A_25], %swap3A_28 {strides = array<i32>} : memref<2320xf32, #tpu.memory_space<vmem>>, vector<16xf32>,
    %swap3A_29 = arith.constant 16 : index
    %swap3A_30 = tpu.vector_load %arg6[%swap3A_29] {strides = array<i32>} : memref<2320xf32, #tpu.memory_space<vmem>>, vector<16xf32>,
    %swap3A_31 = vector.shape_cast %swap3A_30 : vector<16xf32> to vector<16xf32>
    %swap3A_32 = vector.shape_cast %broadcast_in_dim3A_3 : vector<16xf32> to vector<16xf32>
    tpu.vector_store %arg6[%swap3A_29], %swap3A_32 {strides = array<i32>} : memref<2320xf32, #tpu.memory_space<vmem>>, vector<16xf32>,
    %swap3A_33 = arith.constant 32 : index
    %swap3A_34 = tpu.vector_load %arg6[%swap3A_33] {strides = array<i32>} : memref<2320xf32, #tpu.memory_space<vmem>>, vector<16xf32>,
    %swap3A_35 = vector.shape_cast %swap3A_34 : vector<16xf32> to vector<16xf32>
    %swap3A_36 = vector.shape_cast %broadcast_in_dim3A_3 : vector<16xf32> to vector<16xf32>
    tpu.vector_store %arg6[%swap3A_33], %swap3A_36 {strides = array<i32>} : memref<2320xf32, #tpu.memory_space<vmem>>, vector<16xf32>,
    %swap3A_37 = arith.constant 48 : index
    %swap3A_38 = tpu.vector_load %arg6[%swap3A_37] {strides = array<i32>} : memref<2320xf32, #tpu.memory_space<vmem>>, vector<16xf32>,
    %swap3A_39 = vector.shape_cast %swap3A_38 : vector<16xf32> to vector<16xf32>
    %swap3A_40 = vector.shape_cast %broadcast_in_dim3A_3 : vector<16xf32> to vector<16xf32>
    tpu.vector_store %arg6[%swap3A_37], %swap3A_40 {strides = array<i32>} : memref<2320xf32, #tpu.memory_space<vmem>>, vector<16xf32>,
    %swap3A_41 = arith.constant 64 : index
    %swap3A_42 = tpu.vector_load %arg6[%swap3A_41] {strides = array<i32>} : memref<2320xf32, #tpu.memory_space<vmem>>, vector<16xf32>,
    %swap3A_43 = vector.shape_cast %swap3A_42 : vector<16xf32> to vector<16xf32>
    %swap3A_44 = vector.shape_cast %broadcast_in_dim3A_3 : vector<16xf32> to vector<16xf32>
    tpu.vector_store %arg6[%swap3A_41], %swap3A_44 {strides = array<i32>} : memref<2320xf32, #tpu.memory_space<vmem>>, vector<16xf32>,
    %swap3A_45 = arith.constant 80 : index
    %swap3A_46 = tpu.vector_load %arg6[%swap3A_45] {strides = array<i32>} : memref<2320xf32, #tpu.memory_space<vmem>>, vector<16xf32>,
    %swap3A_47 = vector.shape_cast %swap3A_46 : vector<16xf32> to vector<16xf32>
    %swap3A_48 = vector.shape_cast %broadcast_in_dim3A_3 : vector<16xf32> to vector<16xf32>
    tpu.vector_store %arg6[%swap3A_45], %swap3A_48 {strides = array<i32>} : memref<2320xf32, #tpu.memory_space<vmem>>, vector<16xf32>,
    %swap3A_49 = arith.constant 96 : index
    %swap3A_50 = tpu.vector_load %arg6[%swap3A_49] {strides = array<i32>} : memref<2320xf32, #tpu.memory_space<vmem>>, vector<16xf32>,
    %swap3A_51 = vector.shape_cast %swap3A_50 : vector<16xf32> to vector<16xf32>
    %swap3A_52 = vector.shape_cast %broadcast_in_dim3A_3 : vector<16xf32> to vector<16xf32>
    tpu.vector_store %arg6[%swap3A_49], %swap3A_52 {strides = array<i32>} : memref<2320xf32, #tpu.memory_space<vmem>>, vector<16xf32>,
    %swap3A_53 = arith.constant 112 : index
    %swap3A_54 = tpu.vector_load %arg6[%swap3A_53] {strides = array<i32>} : memref<2320xf32, #tpu.memory_space<vmem>>, vector<16xf32>,
    %swap3A_55 = vector.shape_cast %swap3A_54 : vector<16xf32> to vector<16xf32>
    %swap3A_56 = vector.shape_cast %broadcast_in_dim3A_3 : vector<16xf32> to vector<16xf32>
    tpu.vector_store %arg6[%swap3A_53], %swap3A_56 {strides = array<i32>} : memref<2320xf32, #tpu.memory_space<vmem>>, vector<16xf32>,
    %swap3A_57 = arith.constant 128 : index
    %swap3A_58 = tpu.vector_load %arg6[%swap3A_57] {strides = array<i32>} : memref<2320xf32, #tpu.memory_space<vmem>>, vector<16xf32>,
    %swap3A_59 = vector.shape_cast %swap3A_58 : vector<16xf32> to vector<16xf32>
    %swap3A_60 = vector.shape_cast %broadcast_in_dim3A_3 : vector<16xf32> to vector<16xf32>
    tpu.vector_store %arg6[%swap3A_57], %swap3A_60 {strides = array<i32>} : memref<2320xf32, #tpu.memory_space<vmem>>, vector<16xf32>,
    %swap3A_61 = arith.constant 144 : index
    %swap3A_62 = tpu.vector_load %arg6[%swap3A_61] {strides = array<i32>} : memref<2320xf32, #tpu.memory_space<vmem>>, vector<16xf32>,
    %swap3A_63 = vector.shape_cast %swap3A_62 : vector<16xf32> to vector<16xf32>
    %swap3A_64 = vector.shape_cast %broadcast_in_dim3A_3 : vector<16xf32> to vector<16xf32>
    tpu.vector_store %arg6[%swap3A_61], %swap3A_64 {strides = array<i32>} : memref<2320xf32, #tpu.memory_space<vmem>>, vector<16xf32>,
    %swap3A_65 = arith.constant 160 : index
    %swap3A_66 = tpu.vector_load %arg6[%swap3A_65] {strides = array<i32>} : memref<2320xf32, #tpu.memory_space<vmem>>, vector<16xf32>,
    %swap3A_67 = vector.shape_cast %swap3A_66 : vector<16xf32> to vector<16xf32>
    %swap3A_68 = vector.shape_cast %broadcast_in_dim3A_3 : vector<16xf32> to vector<16xf32>
    tpu.vector_store %arg6[%swap3A_65], %swap3A_68 {strides = array<i32>} : memref<2320xf32, #tpu.memory_space<vmem>>, vector<16xf32>,
    %swap3A_69 = arith.constant 176 : index
    %swap3A_70 = tpu.vector_load %arg6[%swap3A_69] {strides = array<i32>} : memref<2320xf32, #tpu.memory_space<vmem>>, vector<16xf32>,
    %swap3A_71 = vector.shape_cast %swap3A_70 : vector<16xf32> to vector<16xf32>
    %swap3A_72 = vector.shape_cast %broadcast_in_dim3A_3 : vector<16xf32> to vector<16xf32>
    tpu.vector_store %arg6[%swap3A_69], %swap3A_72 {strides = array<i32>} : memref<2320xf32, #tpu.memory_space<vmem>>, vector<16xf32>,
    %swap3A_73 = arith.constant 192 : index
    %swap3A_74 = tpu.vector_load %arg6[%swap3A_73] {strides = array<i32>} : memref<2320xf32, #tpu.memory_space<vmem>>, vector<16xf32>,
    %swap3A_75 = vector.shape_cast %swap3A_74 : vector<16xf32> to vector<16xf32>
    %swap3A_76 = vector.shape_cast %broadcast_in_dim3A_3 : vector<16xf32> to vector<16xf32>
    tpu.vector_store %arg6[%swap3A_73], %swap3A_76 {strides = array<i32>} : memref<2320xf32, #tpu.memory_space<vmem>>, vector<16xf32>,
    %swap3A_77 = arith.constant 208 : index
    %swap3A_78 = tpu.vector_load %arg6[%swap3A_77] {strides = array<i32>} : memref<2320xf32, #tpu.memory_space<vmem>>, vector<16xf32>,
    %swap3A_79 = vector.shape_cast %swap3A_78 : vector<16xf32> to vector<16xf32>
    %swap3A_80 = vector.shape_cast %broadcast_in_dim3A_3 : vector<16xf32> to vector<16xf32>
    tpu.vector_store %arg6[%swap3A_77], %swap3A_80 {strides = array<i32>} : memref<2320xf32, #tpu.memory_space<vmem>>, vector<16xf32>,
    %swap3A_81 = arith.constant 224 : index
    %swap3A_82 = tpu.vector_load %arg6[%swap3A_81] {strides = array<i32>} : memref<2320xf32, #tpu.memory_space<vmem>>, vector<16xf32>,
    %swap3A_83 = vector.shape_cast %swap3A_82 : vector<16xf32> to vector<16xf32>
    %swap3A_84 = vector.shape_cast %broadcast_in_dim3A_3 : vector<16xf32> to vector<16xf32>
    tpu.vector_store %arg6[%swap3A_81], %swap3A_84 {strides = array<i32>} : memref<2320xf32, #tpu.memory_space<vmem>>, vector<16xf32>,
    %swap3A_85 = arith.constant 240 : index
    %swap3A_86 = tpu.vector_load %arg6[%swap3A_85] {strides = array<i32>} : memref<2320xf32, #tpu.memory_space<vmem>>, vector<16xf32>,
    %swap3A_87 = vector.shape_cast %swap3A_86 : vector<16xf32> to vector<16xf32>
    %swap3A_88 = vector.shape_cast %broadcast_in_dim3A_3 : vector<16xf32> to vector<16xf32>
    tpu.vector_store %arg6[%swap3A_85], %swap3A_88 {strides = array<i32>} : memref<2320xf32, #tpu.memory_space<vmem>>, vector<16xf32>,
    %swap3A_89 = arith.constant 256 : index
    %swap3A_90 = tpu.vector_load %arg6[%swap3A_89] {strides = array<i32>} : memref<2320xf32, #tpu.memory_space<vmem>>, vector<16xf32>,
    %swap3A_91 = vector.shape_cast %swap3A_90 : vector<16xf32> to vector<16xf32>
    %swap3A_92 = vector.shape_cast %broadcast_in_dim3A_3 : vector<16xf32> to vector<16xf32>
    tpu.vector_store %arg6[%swap3A_89], %swap3A_92 {strides = array<i32>} : memref<2320xf32, #tpu.memory_space<vmem>>, vector<16xf32>,
    %swap3A_93 = arith.constant 272 : index
    %swap3A_94 = tpu.vector_load %arg6[%swap3A_93] {strides = array<i32>} : memref<2320xf32, #tpu.memory_space<vmem>>, vector<16xf32>,
    %swap3A_95 = vector.shape_cast %swap3A_94 : vector<16xf32> to vector<16xf32>
    %swap3A_96 = vector.shape_cast %broadcast_in_dim3A_3 : vector<16xf32> to vector<16xf32>
    tpu.vector_store %arg6[%swap3A_93], %swap3A_96 {strides = array<i32>} : memref<2320xf32, #tpu.memory_space<vmem>>, vector<16xf32>,
    %swap3A_97 = arith.constant 288 : index
    %swap3A_98 = tpu.vector_load %arg6[%swap3A_97] {strides = array<i32>} : memref<2320xf32, #tpu.memory_space<vmem>>, vector<16xf32>,
    %swap3A_99 = vector.shape_cast %swap3A_98 : vector<16xf32> to vector<16xf32>
    %swap3A_100 = vector.shape_cast %broadcast_in_dim3A_3 : vector<16xf32> to vector<16xf32>
    tpu.vector_store %arg6[%swap3A_97], %swap3A_100 {strides = array<i32>} : memref<2320xf32, #tpu.memory_space<vmem>>, vector<16xf32>,
    %swap3A_101 = arith.constant 304 : index
    %swap3A_102 = tpu.vector_load %arg6[%swap3A_101] {strides = array<i32>} : memref<2320xf32, #tpu.memory_space<vmem>>, vector<16xf32>,
    %swap3A_103 = vector.shape_cast %swap3A_102 : vector<16xf32> to vector<16xf32>
    %swap3A_104 = vector.shape_cast %broadcast_in_dim3A_3 : vector<16xf32> to vector<16xf32>
    tpu.vector_store %arg6[%swap3A_101], %swap3A_104 {strides = array<i32>} : memref<2320xf32, #tpu.memory_space<vmem>>, vector<16xf32>,
    %swap3A_105 = arith.constant 320 : index
    %swap3A_106 = tpu.vector_load %arg6[%swap3A_105] {strides = array<i32>} : memref<2320xf32, #tpu.memory_space<vmem>>, vector<16xf32>,
    %swap3A_107 = vector.shape_cast %swap3A_106 : vector<16xf32> to vector<16xf32>
    %swap3A_108 = vector.shape_cast %broadcast_in_dim3A_3 : vector<16xf32> to vector<16xf32>
    tpu.vector_store %arg6[%swap3A_105], %swap3A_108 {strides = array<i32>} : memref<2320xf32, #tpu.memory_space<vmem>>, vector<16xf32>,
    %swap3A_109 = arith.constant 336 : index
    %swap3A_110 = tpu.vector_load %arg6[%swap3A_109] {strides = array<i32>} : memref<2320xf32, #tpu.memory_space<vmem>>, vector<16xf32>,
    %swap3A_111 = vector.shape_cast %swap3A_110 : vector<16xf32> to vector<16xf32>
    %swap3A_112 = vector.shape_cast %broadcast_in_dim3A_3 : vector<16xf32> to vector<16xf32>
    tpu.vector_store %arg6[%swap3A_109], %swap3A_112 {strides = array<i32>} : memref<2320xf32, #tpu.memory_space<vmem>>, vector<16xf32>,
    %swap3A_113 = arith.constant 352 : index
    %swap3A_114 = tpu.vector_load %arg6[%swap3A_113] {strides = array<i32>} : memref<2320xf32, #tpu.memory_space<vmem>>, vector<16xf32>,
    %swap3A_115 = vector.shape_cast %swap3A_114 : vector<16xf32> to vector<16xf32>
    %swap3A_116 = vector.shape_cast %broadcast_in_dim3A_3 : vector<16xf32> to vector<16xf32>
    tpu.vector_store %arg6[%swap3A_113], %swap3A_116 {strides = array<i32>} : memref<2320xf32, #tpu.memory_space<vmem>>, vector<16xf32>,
    %swap3A_117 = arith.constant 368 : index
    %swap3A_118 = tpu.vector_load %arg6[%swap3A_117] {strides = array<i32>} : memref<2320xf32, #tpu.memory_space<vmem>>, vector<16xf32>,
    %swap3A_119 = vector.shape_cast %swap3A_118 : vector<16xf32> to vector<16xf32>
    %swap3A_120 = vector.shape_cast %broadcast_in_dim3A_3 : vector<16xf32> to vector<16xf32>
    tpu.vector_store %arg6[%swap3A_117], %swap3A_120 {strides = array<i32>} : memref<2320xf32, #tpu.memory_space<vmem>>, vector<16xf32>,
    %swap3A_121 = arith.constant 384 : index
    %swap3A_122 = tpu.vector_load %arg6[%swap3A_121] {strides = array<i32>} : memref<2320xf32, #tpu.memory_space<vmem>>, vector<16xf32>,
    %swap3A_123 = vector.shape_cast %swap3A_122 : vector<16xf32> to vector<16xf32>
    %swap3A_124 = vector.shape_cast %broadcast_in_dim3A_3 : vector<16xf32> to vector<16xf32>
    tpu.vector_store %arg6[%swap3A_121], %swap3A_124 {strides = array<i32>} : memref<2320xf32, #tpu.memory_space<vmem>>, vector<16xf32>,
    %swap3A_125 = arith.constant 400 : index
    %swap3A_126 = tpu.vector_load %arg6[%swap3A_125] {strides = array<i32>} : memref<2320xf32, #tpu.memory_space<vmem>>, vector<16xf32>,
    %swap3A_127 = vector.shape_cast %swap3A_126 : vector<16xf32> to vector<16xf32>
    %swap3A_128 = vector.shape_cast %broadcast_in_dim3A_3 : vector<16xf32> to vector<16xf32>
    tpu.vector_store %arg6[%swap3A_125], %swap3A_128 {strides = array<i32>} : memref<2320xf32, #tpu.memory_space<vmem>>, vector<16xf32>,
    %swap3A_129 = arith.constant 416 : index
    %swap3A_130 = tpu.vector_load %arg6[%swap3A_129] {strides = array<i32>} : memref<2320xf32, #tpu.memory_space<vmem>>, vector<16xf32>,
    %swap3A_131 = vector.shape_cast %swap3A_130 : vector<16xf32> to vector<16xf32>
    %swap3A_132 = vector.shape_cast %broadcast_in_dim3A_3 : vector<16xf32> to vector<16xf32>
    tpu.vector_store %arg6[%swap3A_129], %swap3A_132 {strides = array<i32>} : memref<2320xf32, #tpu.memory_space<vmem>>, vector<16xf32>,
    %swap3A_133 = arith.constant 432 : index
    %swap3A_134 = tpu.vector_load %arg6[%swap3A_133] {strides = array<i32>} : memref<2320xf32, #tpu.memory_space<vmem>>, vector<16xf32>,
    %swap3A_135 = vector.shape_cast %swap3A_134 : vector<16xf32> to vector<16xf32>
    %swap3A_136 = vector.shape_cast %broadcast_in_dim3A_3 : vector<16xf32> to vector<16xf32>
    tpu.vector_store %arg6[%swap3A_133], %swap3A_136 {strides = array<i32>} : memref<2320xf32, #tpu.memory_space<vmem>>, vector<16xf32>,
    %swap3A_137 = arith.constant 448 : index
    %swap3A_138 = tpu.vector_load %arg6[%swap3A_137] {strides = array<i32>} : memref<2320xf32, #tpu.memory_space<vmem>>, vector<16xf32>,
    %swap3A_139 = vector.shape_cast %swap3A_138 : vector<16xf32> to vector<16xf32>
    %swap3A_140 = vector.shape_cast %broadcast_in_dim3A_3 : vector<16xf32> to vector<16xf32>
    tpu.vector_store %arg6[%swap3A_137], %swap3A_140 {strides = array<i32>} : memref<2320xf32, #tpu.memory_space<vmem>>, vector<16xf32>,
    %swap3A_141 = arith.constant 464 : index
    %swap3A_142 = tpu.vector_load %arg6[%swap3A_141] {strides = array<i32>} : memref<2320xf32, #tpu.memory_space<vmem>>, vector<16xf32>,
    %swap3A_143 = vector.shape_cast %swap3A_142 : vector<16xf32> to vector<16xf32>
    %swap3A_144 = vector.shape_cast %broadcast_in_dim3A_3 : vector<16xf32> to vector<16xf32>
    tpu.vector_store %arg6[%swap3A_141], %swap3A_144 {strides = array<i32>} : memref<2320xf32, #tpu.memory_space<vmem>>, vector<16xf32>,
    %swap3A_145 = arith.constant 480 : index
    %swap3A_146 = tpu.vector_load %arg6[%swap3A_145] {strides = array<i32>} : memref<2320xf32, #tpu.memory_space<vmem>>, vector<16xf32>,
    %swap3A_147 = vector.shape_cast %swap3A_146 : vector<16xf32> to vector<16xf32>
    %swap3A_148 = vector.shape_cast %broadcast_in_dim3A_3 : vector<16xf32> to vector<16xf32>
    tpu.vector_store %arg6[%swap3A_145], %swap3A_148 {strides = array<i32>} : memref<2320xf32, #tpu.memory_space<vmem>>, vector<16xf32>,
    %swap3A_149 = arith.constant 496 : index
    %swap3A_150 = tpu.vector_load %arg6[%swap3A_149] {strides = array<i32>} : memref<2320xf32, #tpu.memory_space<vmem>>, vector<16xf32>,
    %swap3A_151 = vector.shape_cast %swap3A_150 : vector<16xf32> to vector<16xf32>
    %swap3A_152 = vector.shape_cast %broadcast_in_dim3A_3 : vector<16xf32> to vector<16xf32>
    tpu.vector_store %arg6[%swap3A_149], %swap3A_152 {strides = array<i32>} : memref<2320xf32, #tpu.memory_space<vmem>>, vector<16xf32>,
    %swap3A_153 = arith.constant 512 : index
    %swap3A_154 = tpu.vector_load %arg6[%swap3A_153] {strides = array<i32>} : memref<2320xf32, #tpu.memory_space<vmem>>, vector<16xf32>,
    %swap3A_155 = vector.shape_cast %swap3A_154 : vector<16xf32> to vector<16xf32>
    %swap3A_156 = vector.shape_cast %broadcast_in_dim3A_3 : vector<16xf32> to vector<16xf32>
    tpu.vector_store %arg6[%swap3A_153], %swap3A_156 {strides = array<i32>} : memref<2320xf32, #tpu.memory_space<vmem>>, vector<16xf32>,
    %swap3A_157 = arith.constant 528 : index
    %swap3A_158 = tpu.vector_load %arg6[%swap3A_157] {strides = array<i32>} : memref<2320xf32, #tpu.memory_space<vmem>>, vector<16xf32>,
    %swap3A_159 = vector.shape_cast %swap3A_158 : vector<16xf32> to vector<16xf32>
    %swap3A_160 = vector.shape_cast %broadcast_in_dim3A_3 : vector<16xf32> to vector<16xf32>
    tpu.vector_store %arg6[%swap3A_157], %swap3A_160 {strides = array<i32>} : memref<2320xf32, #tpu.memory_space<vmem>>, vector<16xf32>,
    %swap3A_161 = arith.constant 544 : index
    %swap3A_162 = tpu.vector_load %arg6[%swap3A_161] {strides = array<i32>} : memref<2320xf32, #tpu.memory_space<vmem>>, vector<16xf32>,
    %swap3A_163 = vector.shape_cast %swap3A_162 : vector<16xf32> to vector<16xf32>
    %swap3A_164 = vector.shape_cast %broadcast_in_dim3A_3 : vector<16xf32> to vector<16xf32>
    tpu.vector_store %arg6[%swap3A_161], %swap3A_164 {strides = array<i32>} : memref<2320xf32, #tpu.memory_space<vmem>>, vector<16xf32>,
    %swap3A_165 = arith.constant 560 : index
    %swap3A_166 = tpu.vector_load %arg6[%swap3A_165] {strides = array<i32>} : memref<2320xf32, #tpu.memory_space<vmem>>, vector<16xf32>,
    %swap3A_167 = vector.shape_cast %swap3A_166 : vector<16xf32> to vector<16xf32>
    %swap3A_168 = vector.shape_cast %broadcast_in_dim3A_3 : vector<16xf32> to vector<16xf32>
    tpu.vector_store %arg6[%swap3A_165], %swap3A_168 {strides = array<i32>} : memref<2320xf32, #tpu.memory_space<vmem>>, vector<16xf32>,
    %swap3A_169 = arith.constant 576 : index
    %swap3A_170 = tpu.vector_load %arg6[%swap3A_169] {strides = array<i32>} : memref<2320xf32, #tpu.memory_space<vmem>>, vector<16xf32>,
    %swap3A_171 = vector.shape_cast %swap3A_170 : vector<16xf32> to vector<16xf32>
    %swap3A_172 = vector.shape_cast %broadcast_in_dim3A_3 : vector<16xf32> to vector<16xf32>
    tpu.vector_store %arg6[%swap3A_169], %swap3A_172 {strides = array<i32>} : memref<2320xf32, #tpu.memory_space<vmem>>, vector<16xf32>,
    %swap3A_173 = arith.constant 592 : index
    %swap3A_174 = tpu.vector_load %arg6[%swap3A_173] {strides = array<i32>} : memref<2320xf32, #tpu.memory_space<vmem>>, vector<16xf32>,
    %swap3A_175 = vector.shape_cast %swap3A_174 : vector<16xf32> to vector<16xf32>
    %swap3A_176 = vector.shape_cast %broadcast_in_dim3A_3 : vector<16xf32> to vector<16xf32>
    tpu.vector_store %arg6[%swap3A_173], %swap3A_176 {strides = array<i32>} : memref<2320xf32, #tpu.memory_space<vmem>>, vector<16xf32>,
    %swap3A_177 = arith.constant 608 : index
    %swap3A_178 = tpu.vector_load %arg6[%swap3A_177] {strides = array<i32>} : memref<2320xf32, #tpu.memory_space<vmem>>, vector<16xf32>,
    %swap3A_179 = vector.shape_cast %swap3A_178 : vector<16xf32> to vector<16xf32>
    %swap3A_180 = vector.shape_cast %broadcast_in_dim3A_3 : vector<16xf32> to vector<16xf32>
    tpu.vector_store %arg6[%swap3A_177], %swap3A_180 {strides = array<i32>} : memref<2320xf32, #tpu.memory_space<vmem>>, vector<16xf32>,
    %swap3A_181 = arith.constant 624 : index
    %swap3A_182 = tpu.vector_load %arg6[%swap3A_181] {strides = array<i32>} : memref<2320xf32, #tpu.memory_space<vmem>>, vector<16xf32>,
    %swap3A_183 = vector.shape_cast %swap3A_182 : vector<16xf32> to vector<16xf32>
    %swap3A_184 = vector.shape_cast %broadcast_in_dim3A_3 : vector<16xf32> to vector<16xf32>
    tpu.vector_store %arg6[%swap3A_181], %swap3A_184 {strides = array<i32>} : memref<2320xf32, #tpu.memory_space<vmem>>, vector<16xf32>,
    %swap3A_185 = arith.constant 640 : index
    %swap3A_186 = tpu.vector_load %arg6[%swap3A_185] {strides = array<i32>} : memref<2320xf32, #tpu.memory_space<vmem>>, vector<16xf32>,
    %swap3A_187 = vector.shape_cast %swap3A_186 : vector<16xf32> to vector<16xf32>
    %swap3A_188 = vector.shape_cast %broadcast_in_dim3A_3 : vector<16xf32> to vector<16xf32>
    tpu.vector_store %arg6[%swap3A_185], %swap3A_188 {strides = array<i32>} : memref<2320xf32, #tpu.memory_space<vmem>>, vector<16xf32>,
    %swap3A_189 = arith.constant 656 : index
    %swap3A_190 = tpu.vector_load %arg6[%swap3A_189] {strides = array<i32>} : memref<2320xf32, #tpu.memory_space<vmem>>, vector<16xf32>,
    %swap3A_191 = vector.shape_cast %swap3A_190 : vector<16xf32> to vector<16xf32>
    %swap3A_192 = vector.shape_cast %broadcast_in_dim3A_3 : vector<16xf32> to vector<16xf32>
    tpu.vector_store %arg6[%swap3A_189], %swap3A_192 {strides = array<i32>} : memref<2320xf32, #tpu.memory_space<vmem>>, vector<16xf32>,
    %swap3A_193 = arith.constant 672 : index
    %swap3A_194 = tpu.vector_load %arg6[%swap3A_193] {strides = array<i32>} : memref<2320xf32, #tpu.memory_space<vmem>>, vector<16xf32>,
    %swap3A_195 = vector.shape_cast %swap3A_194 : vector<16xf32> to vector<16xf32>
    %swap3A_196 = vector.shape_cast %broadcast_in_dim3A_3 : vector<16xf32> to vector<16xf32>
    tpu.vector_store %arg6[%swap3A_193], %swap3A_196 {strides = array<i32>} : memref<2320xf32, #tpu.memory_space<vmem>>, vector<16xf32>,
    %swap3A_197 = arith.constant 688 : index
    %swap3A_198 = tpu.vector_load %arg6[%swap3A_197] {strides = array<i32>} : memref<2320xf32, #tpu.memory_space<vmem>>, vector<16xf32>,
    %swap3A_199 = vector.shape_cast %swap3A_198 : vector<16xf32> to vector<16xf32>
    %swap3A_200 = vector.shape_cast %broadcast_in_dim3A_3 : vector<16xf32> to vector<16xf32>
    tpu.vector_store %arg6[%swap3A_197], %swap3A_200 {strides = array<i32>} : memref<2320xf32, #tpu.memory_space<vmem>>, vector<16xf32>,
    %swap3A_201 = arith.constant 704 : index
    %swap3A_202 = tpu.vector_load %arg6[%swap3A_201] {strides = array<i32>} : memref<2320xf32, #tpu.memory_space<vmem>>, vector<16xf32>,
    %swap3A_203 = vector.shape_cast %swap3A_202 : vector<16xf32> to vector<16xf32>
    %swap3A_204 = vector.shape_cast %broadcast_in_dim3A_3 : vector<16xf32> to vector<16xf32>
    tpu.vector_store %arg6[%swap3A_201], %swap3A_204 {strides = array<i32>} : memref<2320xf32, #tpu.memory_space<vmem>>, vector<16xf32>,
    %swap3A_205 = arith.constant 720 : index
    %swap3A_206 = tpu.vector_load %arg6[%swap3A_205] {strides = array<i32>} : memref<2320xf32, #tpu.memory_space<vmem>>, vector<16xf32>,
    %swap3A_207 = vector.shape_cast %swap3A_206 : vector<16xf32> to vector<16xf32>
    %swap3A_208 = vector.shape_cast %broadcast_in_dim3A_3 : vector<16xf32> to vector<16xf32>
    tpu.vector_store %arg6[%swap3A_205], %swap3A_208 {strides = array<i32>} : memref<2320xf32, #tpu.memory_space<vmem>>, vector<16xf32>,
    %swap3A_209 = arith.constant 736 : index
    %swap3A_210 = tpu.vector_load %arg6[%swap3A_209] {strides = array<i32>} : memref<2320xf32, #tpu.memory_space<vmem>>, vector<16xf32>,
    %swap3A_211 = vector.shape_cast %swap3A_210 : vector<16xf32> to vector<16xf32>
    %swap3A_212 = vector.shape_cast %broadcast_in_dim3A_3 : vector<16xf32> to vector<16xf32>
    tpu.vector_store %arg6[%swap3A_209], %swap3A_212 {strides = array<i32>} : memref<2320xf32, #tpu.memory_space<vmem>>, vector<16xf32>,
    %swap3A_213 = arith.constant 752 : index
    %swap3A_214 = tpu.vector_load %arg6[%swap3A_213] {strides = array<i32>} : memref<2320xf32, #tpu.memory_space<vmem>>, vector<16xf32>,
    %swap3A_215 = vector.shape_cast %swap3A_214 : vector<16xf32> to vector<16xf32>
    %swap3A_216 = vector.shape_cast %broadcast_in_dim3A_3 : vector<16xf32> to vector<16xf32>
    tpu.vector_store %arg6[%swap3A_213], %swap3A_216 {strides = array<i32>} : memref<2320xf32, #tpu.memory_space<vmem>>, vector<16xf32>,
    %swap3A_217 = arith.constant 768 : index
    %swap3A_218 = tpu.vector_load %arg6[%swap3A_217] {strides = array<i32>} : memref<2320xf32, #tpu.memory_space<vmem>>, vector<16xf32>,
    %swap3A_219 = vector.shape_cast %swap3A_218 : vector<16xf32> to vector<16xf32>
    %swap3A_220 = vector.shape_cast %broadcast_in_dim3A_3 : vector<16xf32> to vector<16xf32>
    tpu.vector_store %arg6[%swap3A_217], %swap3A_220 {strides = array<i32>} : memref<2320xf32, #tpu.memory_space<vmem>>, vector<16xf32>,
    %swap3A_221 = arith.constant 784 : index
    %swap3A_222 = tpu.vector_load %arg6[%swap3A_221] {strides = array<i32>} : memref<2320xf32, #tpu.memory_space<vmem>>, vector<16xf32>,
    %swap3A_223 = vector.shape_cast %swap3A_222 : vector<16xf32> to vector<16xf32>
    %swap3A_224 = vector.shape_cast %broadcast_in_dim3A_3 : vector<16xf32> to vector<16xf32>
    tpu.vector_store %arg6[%swap3A_221], %swap3A_224 {strides = array<i32>} : memref<2320xf32, #tpu.memory_space<vmem>>, vector<16xf32>,
    %swap3A_225 = arith.constant 800 : index
    %swap3A_226 = tpu.vector_load %arg6[%swap3A_225] {strides = array<i32>} : memref<2320xf32, #tpu.memory_space<vmem>>, vector<16xf32>,
    %swap3A_227 = vector.shape_cast %swap3A_226 : vector<16xf32> to vector<16xf32>
    %swap3A_228 = vector.shape_cast %broadcast_in_dim3A_3 : vector<16xf32> to vector<16xf32>
    tpu.vector_store %arg6[%swap3A_225], %swap3A_228 {strides = array<i32>} : memref<2320xf32, #tpu.memory_space<vmem>>, vector<16xf32>,
    %swap3A_229 = arith.constant 816 : index
    %swap3A_230 = tpu.vector_load %arg6[%swap3A_229] {strides = array<i32>} : memref<2320xf32, #tpu.memory_space<vmem>>, vector<16xf32>,
    %swap3A_231 = vector.shape_cast %swap3A_230 : vector<16xf32> to vector<16xf32>
    %swap3A_232 = vector.shape_cast %broadcast_in_dim3A_3 : vector<16xf32> to vector<16xf32>
    tpu.vector_store %arg6[%swap3A_229], %swap3A_232 {strides = array<i32>} : memref<2320xf32, #tpu.memory_space<vmem>>, vector<16xf32>,
    %swap3A_233 = arith.constant 832 : index
    %swap3A_234 = tpu.vector_load %arg6[%swap3A_233] {strides = array<i32>} : memref<2320xf32, #tpu.memory_space<vmem>>, vector<16xf32>,
    %swap3A_235 = vector.shape_cast %swap3A_234 : vector<16xf32> to vector<16xf32>
    %swap3A_236 = vector.shape_cast %broadcast_in_dim3A_3 : vector<16xf32> to vector<16xf32>
    tpu.vector_store %arg6[%swap3A_233], %swap3A_236 {strides = array<i32>} : memref<2320xf32, #tpu.memory_space<vmem>>, vector<16xf32>,
    %swap3A_237 = arith.constant 848 : index
    %swap3A_238 = tpu.vector_load %arg6[%swap3A_237] {strides = array<i32>} : memref<2320xf32, #tpu.memory_space<vmem>>, vector<16xf32>,
    %swap3A_239 = vector.shape_cast %swap3A_238 : vector<16xf32> to vector<16xf32>
    %swap3A_240 = vector.shape_cast %broadcast_in_dim3A_3 : vector<16xf32> to vector<16xf32>
    tpu.vector_store %arg6[%swap3A_237], %swap3A_240 {strides = array<i32>} : memref<2320xf32, #tpu.memory_space<vmem>>, vector<16xf32>,
    %swap3A_241 = arith.constant 864 : index
    %swap3A_242 = tpu.vector_load %arg6[%swap3A_241] {strides = array<i32>} : memref<2320xf32, #tpu.memory_space<vmem>>, vector<16xf32>,
    %swap3A_243 = vector.shape_cast %swap3A_242 : vector<16xf32> to vector<16xf32>
    %swap3A_244 = vector.shape_cast %broadcast_in_dim3A_3 : vector<16xf32> to vector<16xf32>
    tpu.vector_store %arg6[%swap3A_241], %swap3A_244 {strides = array<i32>} : memref<2320xf32, #tpu.memory_space<vmem>>, vector<16xf32>,
    %swap3A_245 = arith.constant 880 : index
    %swap3A_246 = tpu.vector_load %arg6[%swap3A_245] {strides = array<i32>} : memref<2320xf32, #tpu.memory_space<vmem>>, vector<16xf32>,
    %swap3A_247 = vector.shape_cast %swap3A_246 : vector<16xf32> to vector<16xf32>
    %swap3A_248 = vector.shape_cast %broadcast_in_dim3A_3 : vector<16xf32> to vector<16xf32>
    tpu.vector_store %arg6[%swap3A_245], %swap3A_248 {strides = array<i32>} : memref<2320xf32, #tpu.memory_space<vmem>>, vector<16xf32>,
    %swap3A_249 = arith.constant 896 : index
    %swap3A_250 = tpu.vector_load %arg6[%swap3A_249] {strides = array<i32>} : memref<2320xf32, #tpu.memory_space<vmem>>, vector<16xf32>,
    %swap3A_251 = vector.shape_cast %swap3A_250 : vector<16xf32> to vector<16xf32>
    %swap3A_252 = vector.shape_cast %broadcast_in_dim3A_3 : vector<16xf32> to vector<16xf32>
    tpu.vector_store %arg6[%swap3A_249], %swap3A_252 {strides = array<i32>} : memref<2320xf32, #tpu.memory_space<vmem>>, vector<16xf32>,
    %swap3A_253 = arith.constant 912 : index
    %swap3A_254 = tpu.vector_load %arg6[%swap3A_253] {strides = array<i32>} : memref<2320xf32, #tpu.memory_space<vmem>>, vector<16xf32>,
    %swap3A_255 = vector.shape_cast %swap3A_254 : vector<16xf32> to vector<16xf32>
    %swap3A_256 = vector.shape_cast %broadcast_in_dim3A_3 : vector<16xf32> to vector<16xf32>
    tpu.vector_store %arg6[%swap3A_253], %swap3A_256 {strides = array<i32>} : memref<2320xf32, #tpu.memory_space<vmem>>, vector<16xf32>,
    %swap3A_257 = arith.constant 928 : index
    %swap3A_258 = tpu.vector_load %arg6[%swap3A_257] {strides = array<i32>} : memref<2320xf32, #tpu.memory_space<vmem>>, vector<16xf32>,
    %swap3A_259 = vector.shape_cast %swap3A_258 : vector<16xf32> to vector<16xf32>
    %swap3A_260 = vector.shape_cast %broadcast_in_dim3A_3 : vector<16xf32> to vector<16xf32>
    tpu.vector_store %arg6[%swap3A_257], %swap3A_260 {strides = array<i32>} : memref<2320xf32, #tpu.memory_space<vmem>>, vector<16xf32>,
    %swap3A_261 = arith.constant 944 : index
    %swap3A_262 = tpu.vector_load %arg6[%swap3A_261] {strides = array<i32>} : memref<2320xf32, #tpu.memory_space<vmem>>, vector<16xf32>,
    %swap3A_263 = vector.shape_cast %swap3A_262 : vector<16xf32> to vector<16xf32>
    %swap3A_264 = vector.shape_cast %broadcast_in_dim3A_3 : vector<16xf32> to vector<16xf32>
    tpu.vector_store %arg6[%swap3A_261], %swap3A_264 {strides = array<i32>} : memref<2320xf32, #tpu.memory_space<vmem>>, vector<16xf32>,
    %swap3A_265 = arith.constant 960 : index
    %swap3A_266 = tpu.vector_load %arg6[%swap3A_265] {strides = array<i32>} : memref<2320xf32, #tpu.memory_space<vmem>>, vector<16xf32>,
    %swap3A_267 = vector.shape_cast %swap3A_266 : vector<16xf32> to vector<16xf32>
    %swap3A_268 = vector.shape_cast %broadcast_in_dim3A_3 : vector<16xf32> to vector<16xf32>
    tpu.vector_store %arg6[%swap3A_265], %swap3A_268 {strides = array<i32>} : memref<2320xf32, #tpu.memory_space<vmem>>, vector<16xf32>,
    %swap3A_269 = arith.constant 976 : index
    %swap3A_270 = tpu.vector_load %arg6[%swap3A_269] {strides = array<i32>} : memref<2320xf32, #tpu.memory_space<vmem>>, vector<16xf32>,
    %swap3A_271 = vector.shape_cast %swap3A_270 : vector<16xf32> to vector<16xf32>
    %swap3A_272 = vector.shape_cast %broadcast_in_dim3A_3 : vector<16xf32> to vector<16xf32>
    tpu.vector_store %arg6[%swap3A_269], %swap3A_272 {strides = array<i32>} : memref<2320xf32, #tpu.memory_space<vmem>>, vector<16xf32>,
    %swap3A_273 = arith.constant 992 : index
    %swap3A_274 = tpu.vector_load %arg6[%swap3A_273] {strides = array<i32>} : memref<2320xf32, #tpu.memory_space<vmem>>, vector<16xf32>,
    %swap3A_275 = vector.shape_cast %swap3A_274 : vector<16xf32> to vector<16xf32>
    %swap3A_276 = vector.shape_cast %broadcast_in_dim3A_3 : vector<16xf32> to vector<16xf32>
    tpu.vector_store %arg6[%swap3A_273], %swap3A_276 {strides = array<i32>} : memref<2320xf32, #tpu.memory_space<vmem>>, vector<16xf32>,
    %swap3A_277 = arith.constant 1008 : index
    %swap3A_278 = tpu.vector_load %arg6[%swap3A_277] {strides = array<i32>} : memref<2320xf32, #tpu.memory_space<vmem>>, vector<16xf32>,
    %swap3A_279 = vector.shape_cast %swap3A_278 : vector<16xf32> to vector<16xf32>
    %swap3A_280 = vector.shape_cast %broadcast_in_dim3A_3 : vector<16xf32> to vector<16xf32>
    tpu.vector_store %arg6[%swap3A_277], %swap3A_280 {strides = array<i32>} : memref<2320xf32, #tpu.memory_space<vmem>>, vector<16xf32>,
    %swap3A_281 = arith.constant 1024 : index
    %swap3A_282 = tpu.vector_load %arg6[%swap3A_281] {strides = array<i32>} : memref<2320xf32, #tpu.memory_space<vmem>>, vector<16xf32>,
    %swap3A_283 = vector.shape_cast %swap3A_282 : vector<16xf32> to vector<16xf32>
    %swap3A_284 = vector.shape_cast %broadcast_in_dim3A_3 : vector<16xf32> to vector<16xf32>
    tpu.vector_store %arg6[%swap3A_281], %swap3A_284 {strides = array<i32>} : memref<2320xf32, #tpu.memory_space<vmem>>, vector<16xf32>,
    %swap3A_285 = arith.constant 1040 : index
    %swap3A_286 = tpu.vector_load %arg6[%swap3A_285] {strides = array<i32>} : memref<2320xf32, #tpu.memory_space<vmem>>, vector<16xf32>,
    %swap3A_287 = vector.shape_cast %swap3A_286 : vector<16xf32> to vector<16xf32>
    %swap3A_288 = vector.shape_cast %broadcast_in_dim3A_3 : vector<16xf32> to vector<16xf32>
    tpu.vector_store %arg6[%swap3A_285], %swap3A_288 {strides = array<i32>} : memref<2320xf32, #tpu.memory_space<vmem>>, vector<16xf32>,
    %swap3A_289 = arith.constant 1056 : index
    %swap3A_290 = tpu.vector_load %arg6[%swap3A_289] {strides = array<i32>} : memref<2320xf32, #tpu.memory_space<vmem>>, vector<16xf32>,
    %swap3A_291 = vector.shape_cast %swap3A_290 : vector<16xf32> to vector<16xf32>
    %swap3A_292 = vector.shape_cast %broadcast_in_dim3A_3 : vector<16xf32> to vector<16xf32>
    tpu.vector_store %arg6[%swap3A_289], %swap3A_292 {strides = array<i32>} : memref<2320xf32, #tpu.memory_space<vmem>>, vector<16xf32>,
    %swap3A_293 = arith.constant 1072 : index
    %swap3A_294 = tpu.vector_load %arg6[%swap3A_293] {strides = array<i32>} : memref<2320xf32, #tpu.memory_space<vmem>>, vector<16xf32>,
    %swap3A_295 = vector.shape_cast %swap3A_294 : vector<16xf32> to vector<16xf32>
    %swap3A_296 = vector.shape_cast %broadcast_in_dim3A_3 : vector<16xf32> to vector<16xf32>
    tpu.vector_store %arg6[%swap3A_293], %swap3A_296 {strides = array<i32>} : memref<2320xf32, #tpu.memory_space<vmem>>, vector<16xf32>,
    %swap3A_297 = arith.constant 1088 : index
    %swap3A_298 = tpu.vector_load %arg6[%swap3A_297] {strides = array<i32>} : memref<2320xf32, #tpu.memory_space<vmem>>, vector<16xf32>,
    %swap3A_299 = vector.shape_cast %swap3A_298 : vector<16xf32> to vector<16xf32>
    %swap3A_300 = vector.shape_cast %broadcast_in_dim3A_3 : vector<16xf32> to vector<16xf32>
    tpu.vector_store %arg6[%swap3A_297], %swap3A_300 {strides = array<i32>} : memref<2320xf32, #tpu.memory_space<vmem>>, vector<16xf32>,
    %swap3A_301 = arith.constant 1104 : index
    %swap3A_302 = tpu.vector_load %arg6[%swap3A_301] {strides = array<i32>} : memref<2320xf32, #tpu.memory_space<vmem>>, vector<16xf32>,
    %swap3A_303 = vector.shape_cast %swap3A_302 : vector<16xf32> to vector<16xf32>
    %swap3A_304 = vector.shape_cast %broadcast_in_dim3A_3 : vector<16xf32> to vector<16xf32>
    tpu.vector_store %arg6[%swap3A_301], %swap3A_304 {strides = array<i32>} : memref<2320xf32, #tpu.memory_space<vmem>>, vector<16xf32>,
    %swap3A_305 = arith.constant 1120 : index
    %swap3A_306 = tpu.vector_load %arg6[%swap3A_305] {strides = array<i32>} : memref<2320xf32, #tpu.memory_space<vmem>>, vector<16xf32>,
    %swap3A_307 = vector.shape_cast %swap3A_306 : vector<16xf32> to vector<16xf32>
    %swap3A_308 = vector.shape_cast %broadcast_in_dim3A_3 : vector<16xf32> to vector<16xf32>
    tpu.vector_store %arg6[%swap3A_305], %swap3A_308 {strides = array<i32>} : memref<2320xf32, #tpu.memory_space<vmem>>, vector<16xf32>,
    %swap3A_309 = arith.constant 1136 : index
    %swap3A_310 = tpu.vector_load %arg6[%swap3A_309] {strides = array<i32>} : memref<2320xf32, #tpu.memory_space<vmem>>, vector<16xf32>,
    %swap3A_311 = vector.shape_cast %swap3A_310 : vector<16xf32> to vector<16xf32>
    %swap3A_312 = vector.shape_cast %broadcast_in_dim3A_3 : vector<16xf32> to vector<16xf32>
    tpu.vector_store %arg6[%swap3A_309], %swap3A_312 {strides = array<i32>} : memref<2320xf32, #tpu.memory_space<vmem>>, vector<16xf32>,
    %swap3A_313 = arith.constant 1152 : index
    %swap3A_314 = tpu.vector_load %arg6[%swap3A_313] {strides = array<i32>} : memref<2320xf32, #tpu.memory_space<vmem>>, vector<16xf32>,
    %swap3A_315 = vector.shape_cast %swap3A_314 : vector<16xf32> to vector<16xf32>
    %swap3A_316 = vector.shape_cast %broadcast_in_dim3A_3 : vector<16xf32> to vector<16xf32>
    tpu.vector_store %arg6[%swap3A_313], %swap3A_316 {strides = array<i32>} : memref<2320xf32, #tpu.memory_space<vmem>>, vector<16xf32>,
    %swap3A_317 = arith.constant 1168 : index
    %swap3A_318 = tpu.vector_load %arg6[%swap3A_317] {strides = array<i32>} : memref<2320xf32, #tpu.memory_space<vmem>>, vector<16xf32>,
    %swap3A_319 = vector.shape_cast %swap3A_318 : vector<16xf32> to vector<16xf32>
    %swap3A_320 = vector.shape_cast %broadcast_in_dim3A_3 : vector<16xf32> to vector<16xf32>
    tpu.vector_store %arg6[%swap3A_317], %swap3A_320 {strides = array<i32>} : memref<2320xf32, #tpu.memory_space<vmem>>, vector<16xf32>,
    %swap3A_321 = arith.constant 1184 : index
    %swap3A_322 = tpu.vector_load %arg6[%swap3A_321] {strides = array<i32>} : memref<2320xf32, #tpu.memory_space<vmem>>, vector<16xf32>,
    %swap3A_323 = vector.shape_cast %swap3A_322 : vector<16xf32> to vector<16xf32>
    %swap3A_324 = vector.shape_cast %broadcast_in_dim3A_3 : vector<16xf32> to vector<16xf32>
    tpu.vector_store %arg6[%swap3A_321], %swap3A_324 {strides = array<i32>} : memref<2320xf32, #tpu.memory_space<vmem>>, vector<16xf32>,
    %swap3A_325 = arith.constant 1200 : index
    %swap3A_326 = tpu.vector_load %arg6[%swap3A_325] {strides = array<i32>} : memref<2320xf32, #tpu.memory_space<vmem>>, vector<16xf32>,
    %swap3A_327 = vector.shape_cast %swap3A_326 : vector<16xf32> to vector<16xf32>
    %swap3A_328 = vector.shape_cast %broadcast_in_dim3A_3 : vector<16xf32> to vector<16xf32>
    tpu.vector_store %arg6[%swap3A_325], %swap3A_328 {strides = array<i32>} : memref<2320xf32, #tpu.memory_space<vmem>>, vector<16xf32>,
    %swap3A_329 = arith.constant 1216 : index
    %swap3A_330 = tpu.vector_load %arg6[%swap3A_329] {strides = array<i32>} : memref<2320xf32, #tpu.memory_space<vmem>>, vector<16xf32>,
    %swap3A_331 = vector.shape_cast %swap3A_330 : vector<16xf32> to vector<16xf32>
    %swap3A_332 = vector.shape_cast %broadcast_in_dim3A_3 : vector<16xf32> to vector<16xf32>
    tpu.vector_store %arg6[%swap3A_329], %swap3A_332 {strides = array<i32>} : memref<2320xf32, #tpu.memory_space<vmem>>, vector<16xf32>,
    %swap3A_333 = arith.constant 1232 : index
    %swap3A_334 = tpu.vector_load %arg6[%swap3A_333] {strides = array<i32>} : memref<2320xf32, #tpu.memory_space<vmem>>, vector<16xf32>,
    %swap3A_335 = vector.shape_cast %swap3A_334 : vector<16xf32> to vector<16xf32>
    %swap3A_336 = vector.shape_cast %broadcast_in_dim3A_3 : vector<16xf32> to vector<16xf32>
    tpu.vector_store %arg6[%swap3A_333], %swap3A_336 {strides = array<i32>} : memref<2320xf32, #tpu.memory_space<vmem>>, vector<16xf32>,
    %swap3A_337 = arith.constant 1248 : index
    %swap3A_338 = tpu.vector_load %arg6[%swap3A_337] {strides = array<i32>} : memref<2320xf32, #tpu.memory_space<vmem>>, vector<16xf32>,
    %swap3A_339 = vector.shape_cast %swap3A_338 : vector<16xf32> to vector<16xf32>
    %swap3A_340 = vector.shape_cast %broadcast_in_dim3A_3 : vector<16xf32> to vector<16xf32>
    tpu.vector_store %arg6[%swap3A_337], %swap3A_340 {strides = array<i32>} : memref<2320xf32, #tpu.memory_space<vmem>>, vector<16xf32>,
    %swap3A_341 = arith.constant 1264 : index
    %swap3A_342 = tpu.vector_load %arg6[%swap3A_341] {strides = array<i32>} : memref<2320xf32, #tpu.memory_space<vmem>>, vector<16xf32>,
    %swap3A_343 = vector.shape_cast %swap3A_342 : vector<16xf32> to vector<16xf32>
    %swap3A_344 = vector.shape_cast %broadcast_in_dim3A_3 : vector<16xf32> to vector<16xf32>
    tpu.vector_store %arg6[%swap3A_341], %swap3A_344 {strides = array<i32>} : memref<2320xf32, #tpu.memory_space<vmem>>, vector<16xf32>,
    %swap3A_345 = arith.constant 1280 : index
    %swap3A_346 = tpu.vector_load %arg6[%swap3A_345] {strides = array<i32>} : memref<2320xf32, #tpu.memory_space<vmem>>, vector<16xf32>,
    %swap3A_347 = vector.shape_cast %swap3A_346 : vector<16xf32> to vector<16xf32>
    %swap3A_348 = vector.shape_cast %broadcast_in_dim3A_3 : vector<16xf32> to vector<16xf32>
    tpu.vector_store %arg6[%swap3A_345], %swap3A_348 {strides = array<i32>} : memref<2320xf32, #tpu.memory_space<vmem>>, vector<16xf32>,
    %swap3A_349 = arith.constant 1296 : index
    %swap3A_350 = tpu.vector_load %arg6[%swap3A_349] {strides = array<i32>} : memref<2320xf32, #tpu.memory_space<vmem>>, vector<16xf32>,
    %swap3A_351 = vector.shape_cast %swap3A_350 : vector<16xf32> to vector<16xf32>
    %swap3A_352 = vector.shape_cast %broadcast_in_dim3A_3 : vector<16xf32> to vector<16xf32>
    tpu.vector_store %arg6[%swap3A_349], %swap3A_352 {strides = array<i32>} : memref<2320xf32, #tpu.memory_space<vmem>>, vector<16xf32>,
    %swap3A_353 = arith.constant 1312 : index
    %swap3A_354 = tpu.vector_load %arg6[%swap3A_353] {strides = array<i32>} : memref<2320xf32, #tpu.memory_space<vmem>>, vector<16xf32>,
    %swap3A_355 = vector.shape_cast %swap3A_354 : vector<16xf32> to vector<16xf32>
    %swap3A_356 = vector.shape_cast %broadcast_in_dim3A_3 : vector<16xf32> to vector<16xf32>
    tpu.vector_store %arg6[%swap3A_353], %swap3A_356 {strides = array<i32>} : memref<2320xf32, #tpu.memory_space<vmem>>, vector<16xf32>,
    %swap3A_357 = arith.constant 1328 : index
    %swap3A_358 = tpu.vector_load %arg6[%swap3A_357] {strides = array<i32>} : memref<2320xf32, #tpu.memory_space<vmem>>, vector<16xf32>,
    %swap3A_359 = vector.shape_cast %swap3A_358 : vector<16xf32> to vector<16xf32>
    %swap3A_360 = vector.shape_cast %broadcast_in_dim3A_3 : vector<16xf32> to vector<16xf32>
    tpu.vector_store %arg6[%swap3A_357], %swap3A_360 {strides = array<i32>} : memref<2320xf32, #tpu.memory_space<vmem>>, vector<16xf32>,
    %swap3A_361 = arith.constant 1344 : index
    %swap3A_362 = tpu.vector_load %arg6[%swap3A_361] {strides = array<i32>} : memref<2320xf32, #tpu.memory_space<vmem>>, vector<16xf32>,
    %swap3A_363 = vector.shape_cast %swap3A_362 : vector<16xf32> to vector<16xf32>
    %swap3A_364 = vector.shape_cast %broadcast_in_dim3A_3 : vector<16xf32> to vector<16xf32>
    tpu.vector_store %arg6[%swap3A_361], %swap3A_364 {strides = array<i32>} : memref<2320xf32, #tpu.memory_space<vmem>>, vector<16xf32>,
    %swap3A_365 = arith.constant 1360 : index
    %swap3A_366 = tpu.vector_load %arg6[%swap3A_365] {strides = array<i32>} : memref<2320xf32, #tpu.memory_space<vmem>>, vector<16xf32>,
    %swap3A_367 = vector.shape_cast %swap3A_366 : vector<16xf32> to vector<16xf32>
    %swap3A_368 = vector.shape_cast %broadcast_in_dim3A_3 : vector<16xf32> to vector<16xf32>
    tpu.vector_store %arg6[%swap3A_365], %swap3A_368 {strides = array<i32>} : memref<2320xf32, #tpu.memory_space<vmem>>, vector<16xf32>,
    %swap3A_369 = arith.constant 1376 : index
    %swap3A_370 = tpu.vector_load %arg6[%swap3A_369] {strides = array<i32>} : memref<2320xf32, #tpu.memory_space<vmem>>, vector<16xf32>,
    %swap3A_371 = vector.shape_cast %swap3A_370 : vector<16xf32> to vector<16xf32>
    %swap3A_372 = vector.shape_cast %broadcast_in_dim3A_3 : vector<16xf32> to vector<16xf32>
    tpu.vector_store %arg6[%swap3A_369], %swap3A_372 {strides = array<i32>} : memref<2320xf32, #tpu.memory_space<vmem>>, vector<16xf32>,
    %swap3A_373 = arith.constant 1392 : index
    %swap3A_374 = tpu.vector_load %arg6[%swap3A_373] {strides = array<i32>} : memref<2320xf32, #tpu.memory_space<vmem>>, vector<16xf32>,
    %swap3A_375 = vector.shape_cast %swap3A_374 : vector<16xf32> to vector<16xf32>
    %swap3A_376 = vector.shape_cast %broadcast_in_dim3A_3 : vector<16xf32> to vector<16xf32>
    tpu.vector_store %arg6[%swap3A_373], %swap3A_376 {strides = array<i32>} : memref<2320xf32, #tpu.memory_space<vmem>>, vector<16xf32>,
    %swap3A_377 = arith.constant 1408 : index
    %swap3A_378 = tpu.vector_load %arg6[%swap3A_377] {strides = array<i32>} : memref<2320xf32, #tpu.memory_space<vmem>>, vector<16xf32>,
    %swap3A_379 = vector.shape_cast %swap3A_378 : vector<16xf32> to vector<16xf32>
    %swap3A_380 = vector.shape_cast %broadcast_in_dim3A_3 : vector<16xf32> to vector<16xf32>
    tpu.vector_store %arg6[%swap3A_377], %swap3A_380 {strides = array<i32>} : memref<2320xf32, #tpu.memory_space<vmem>>, vector<16xf32>,
    %swap3A_381 = arith.constant 1424 : index
    %swap3A_382 = tpu.vector_load %arg6[%swap3A_381] {strides = array<i32>} : memref<2320xf32, #tpu.memory_space<vmem>>, vector<16xf32>,
    %swap3A_383 = vector.shape_cast %swap3A_382 : vector<16xf32> to vector<16xf32>
    %swap3A_384 = vector.shape_cast %broadcast_in_dim3A_3 : vector<16xf32> to vector<16xf32>
    tpu.vector_store %arg6[%swap3A_381], %swap3A_384 {strides = array<i32>} : memref<2320xf32, #tpu.memory_space<vmem>>, vector<16xf32>,
    %swap3A_385 = arith.constant 1440 : index
    %swap3A_386 = tpu.vector_load %arg6[%swap3A_385] {strides = array<i32>} : memref<2320xf32, #tpu.memory_space<vmem>>, vector<16xf32>,
    %swap3A_387 = vector.shape_cast %swap3A_386 : vector<16xf32> to vector<16xf32>
    %swap3A_388 = vector.shape_cast %broadcast_in_dim3A_3 : vector<16xf32> to vector<16xf32>
    tpu.vector_store %arg6[%swap3A_385], %swap3A_388 {strides = array<i32>} : memref<2320xf32, #tpu.memory_space<vmem>>, vector<16xf32>,
    %swap3A_389 = arith.constant 1456 : index
    %swap3A_390 = tpu.vector_load %arg6[%swap3A_389] {strides = array<i32>} : memref<2320xf32, #tpu.memory_space<vmem>>, vector<16xf32>,
    %swap3A_391 = vector.shape_cast %swap3A_390 : vector<16xf32> to vector<16xf32>
    %swap3A_392 = vector.shape_cast %broadcast_in_dim3A_3 : vector<16xf32> to vector<16xf32>
    tpu.vector_store %arg6[%swap3A_389], %swap3A_392 {strides = array<i32>} : memref<2320xf32, #tpu.memory_space<vmem>>, vector<16xf32>,
    %swap3A_393 = arith.constant 1472 : index
    %swap3A_394 = tpu.vector_load %arg6[%swap3A_393] {strides = array<i32>} : memref<2320xf32, #tpu.memory_space<vmem>>, vector<16xf32>,
    %swap3A_395 = vector.shape_cast %swap3A_394 : vector<16xf32> to vector<16xf32>
    %swap3A_396 = vector.shape_cast %broadcast_in_dim3A_3 : vector<16xf32> to vector<16xf32>
    tpu.vector_store %arg6[%swap3A_393], %swap3A_396 {strides = array<i32>} : memref<2320xf32, #tpu.memory_space<vmem>>, vector<16xf32>,
    %swap3A_397 = arith.constant 1488 : index
    %swap3A_398 = tpu.vector_load %arg6[%swap3A_397] {strides = array<i32>} : memref<2320xf32, #tpu.memory_space<vmem>>, vector<16xf32>,
    %swap3A_399 = vector.shape_cast %swap3A_398 : vector<16xf32> to vector<16xf32>
    %swap3A_400 = vector.shape_cast %broadcast_in_dim3A_3 : vector<16xf32> to vector<16xf32>
    tpu.vector_store %arg6[%swap3A_397], %swap3A_400 {strides = array<i32>} : memref<2320xf32, #tpu.memory_space<vmem>>, vector<16xf32>,
    %swap3A_401 = arith.constant 1504 : index
    %swap3A_402 = tpu.vector_load %arg6[%swap3A_401] {strides = array<i32>} : memref<2320xf32, #tpu.memory_space<vmem>>, vector<16xf32>,
    %swap3A_403 = vector.shape_cast %swap3A_402 : vector<16xf32> to vector<16xf32>
    %swap3A_404 = vector.shape_cast %broadcast_in_dim3A_3 : vector<16xf32> to vector<16xf32>
    tpu.vector_store %arg6[%swap3A_401], %swap3A_404 {strides = array<i32>} : memref<2320xf32, #tpu.memory_space<vmem>>, vector<16xf32>,
    %swap3A_405 = arith.constant 1520 : index
    %swap3A_406 = tpu.vector_load %arg6[%swap3A_405] {strides = array<i32>} : memref<2320xf32, #tpu.memory_space<vmem>>, vector<16xf32>,
    %swap3A_407 = vector.shape_cast %swap3A_406 : vector<16xf32> to vector<16xf32>
    %swap3A_408 = vector.shape_cast %broadcast_in_dim3A_3 : vector<16xf32> to vector<16xf32>
    tpu.vector_store %arg6[%swap3A_405], %swap3A_408 {strides = array<i32>} : memref<2320xf32, #tpu.memory_space<vmem>>, vector<16xf32>,
    %swap3A_409 = arith.constant 1536 : index
    %swap3A_410 = tpu.vector_load %arg6[%swap3A_409] {strides = array<i32>} : memref<2320xf32, #tpu.memory_space<vmem>>, vector<16xf32>,
    %swap3A_411 = vector.shape_cast %swap3A_410 : vector<16xf32> to vector<16xf32>
    %swap3A_412 = vector.shape_cast %broadcast_in_dim3A_3 : vector<16xf32> to vector<16xf32>
    tpu.vector_store %arg6[%swap3A_409], %swap3A_412 {strides = array<i32>} : memref<2320xf32, #tpu.memory_space<vmem>>, vector<16xf32>,
    %swap3A_413 = arith.constant 1552 : index
    %swap3A_414 = tpu.vector_load %arg6[%swap3A_413] {strides = array<i32>} : memref<2320xf32, #tpu.memory_space<vmem>>, vector<16xf32>,
    %swap3A_415 = vector.shape_cast %swap3A_414 : vector<16xf32> to vector<16xf32>
    %swap3A_416 = vector.shape_cast %broadcast_in_dim3A_3 : vector<16xf32> to vector<16xf32>
    tpu.vector_store %arg6[%swap3A_413], %swap3A_416 {strides = array<i32>} : memref<2320xf32, #tpu.memory_space<vmem>>, vector<16xf32>,
    %swap3A_417 = arith.constant 1568 : index
    %swap3A_418 = tpu.vector_load %arg6[%swap3A_417] {strides = array<i32>} : memref<2320xf32, #tpu.memory_space<vmem>>, vector<16xf32>,
    %swap3A_419 = vector.shape_cast %swap3A_418 : vector<16xf32> to vector<16xf32>
    %swap3A_420 = vector.shape_cast %broadcast_in_dim3A_3 : vector<16xf32> to vector<16xf32>
    tpu.vector_store %arg6[%swap3A_417], %swap3A_420 {strides = array<i32>} : memref<2320xf32, #tpu.memory_space<vmem>>, vector<16xf32>,
    %swap3A_421 = arith.constant 1584 : index
    %swap3A_422 = tpu.vector_load %arg6[%swap3A_421] {strides = array<i32>} : memref<2320xf32, #tpu.memory_space<vmem>>, vector<16xf32>,
    %swap3A_423 = vector.shape_cast %swap3A_422 : vector<16xf32> to vector<16xf32>
    %swap3A_424 = vector.shape_cast %broadcast_in_dim3A_3 : vector<16xf32> to vector<16xf32>
    tpu.vector_store %arg6[%swap3A_421], %swap3A_424 {strides = array<i32>} : memref<2320xf32, #tpu.memory_space<vmem>>, vector<16xf32>,
    %swap3A_425 = arith.constant 1600 : index
    %swap3A_426 = tpu.vector_load %arg6[%swap3A_425] {strides = array<i32>} : memref<2320xf32, #tpu.memory_space<vmem>>, vector<16xf32>,
    %swap3A_427 = vector.shape_cast %swap3A_426 : vector<16xf32> to vector<16xf32>
    %swap3A_428 = vector.shape_cast %broadcast_in_dim3A_3 : vector<16xf32> to vector<16xf32>
    tpu.vector_store %arg6[%swap3A_425], %swap3A_428 {strides = array<i32>} : memref<2320xf32, #tpu.memory_space<vmem>>, vector<16xf32>,
    %swap3A_429 = arith.constant 1616 : index
    %swap3A_430 = tpu.vector_load %arg6[%swap3A_429] {strides = array<i32>} : memref<2320xf32, #tpu.memory_space<vmem>>, vector<16xf32>,
    %swap3A_431 = vector.shape_cast %swap3A_430 : vector<16xf32> to vector<16xf32>
    %swap3A_432 = vector.shape_cast %broadcast_in_dim3A_3 : vector<16xf32> to vector<16xf32>
    tpu.vector_store %arg6[%swap3A_429], %swap3A_432 {strides = array<i32>} : memref<2320xf32, #tpu.memory_space<vmem>>, vector<16xf32>,
    %swap3A_433 = arith.constant 1632 : index
    %swap3A_434 = tpu.vector_load %arg6[%swap3A_433] {strides = array<i32>} : memref<2320xf32, #tpu.memory_space<vmem>>, vector<16xf32>,
    %swap3A_435 = vector.shape_cast %swap3A_434 : vector<16xf32> to vector<16xf32>
    %swap3A_436 = vector.shape_cast %broadcast_in_dim3A_3 : vector<16xf32> to vector<16xf32>
    tpu.vector_store %arg6[%swap3A_433], %swap3A_436 {strides = array<i32>} : memref<2320xf32, #tpu.memory_space<vmem>>, vector<16xf32>,
    %swap3A_437 = arith.constant 1648 : index
    %swap3A_438 = tpu.vector_load %arg6[%swap3A_437] {strides = array<i32>} : memref<2320xf32, #tpu.memory_space<vmem>>, vector<16xf32>,
    %swap3A_439 = vector.shape_cast %swap3A_438 : vector<16xf32> to vector<16xf32>
    %swap3A_440 = vector.shape_cast %broadcast_in_dim3A_3 : vector<16xf32> to vector<16xf32>
    tpu.vector_store %arg6[%swap3A_437], %swap3A_440 {strides = array<i32>} : memref<2320xf32, #tpu.memory_space<vmem>>, vector<16xf32>,
    %swap3A_441 = arith.constant 1664 : index
    %swap3A_442 = tpu.vector_load %arg6[%swap3A_441] {strides = array<i32>} : memref<2320xf32, #tpu.memory_space<vmem>>, vector<16xf32>,
    %swap3A_443 = vector.shape_cast %swap3A_442 : vector<16xf32> to vector<16xf32>
    %swap3A_444 = vector.shape_cast %broadcast_in_dim3A_3 : vector<16xf32> to vector<16xf32>
    tpu.vector_store %arg6[%swap3A_441], %swap3A_444 {strides = array<i32>} : memref<2320xf32, #tpu.memory_space<vmem>>, vector<16xf32>,
    %swap3A_445 = arith.constant 1680 : index
    %swap3A_446 = tpu.vector_load %arg6[%swap3A_445] {strides = array<i32>} : memref<2320xf32, #tpu.memory_space<vmem>>, vector<16xf32>,
    %swap3A_447 = vector.shape_cast %swap3A_446 : vector<16xf32> to vector<16xf32>
    %swap3A_448 = vector.shape_cast %broadcast_in_dim3A_3 : vector<16xf32> to vector<16xf32>
    tpu.vector_store %arg6[%swap3A_445], %swap3A_448 {strides = array<i32>} : memref<2320xf32, #tpu.memory_space<vmem>>, vector<16xf32>,
    %swap3A_449 = arith.constant 1696 : index
    %swap3A_450 = tpu.vector_load %arg6[%swap3A_449] {strides = array<i32>} : memref<2320xf32, #tpu.memory_space<vmem>>, vector<16xf32>,
    %swap3A_451 = vector.shape_cast %swap3A_450 : vector<16xf32> to vector<16xf32>
    %swap3A_452 = vector.shape_cast %broadcast_in_dim3A_3 : vector<16xf32> to vector<16xf32>
    tpu.vector_store %arg6[%swap3A_449], %swap3A_452 {strides = array<i32>} : memref<2320xf32, #tpu.memory_space<vmem>>, vector<16xf32>,
    %swap3A_453 = arith.constant 1712 : index
    %swap3A_454 = tpu.vector_load %arg6[%swap3A_453] {strides = array<i32>} : memref<2320xf32, #tpu.memory_space<vmem>>, vector<16xf32>,
    %swap3A_455 = vector.shape_cast %swap3A_454 : vector<16xf32> to vector<16xf32>
    %swap3A_456 = vector.shape_cast %broadcast_in_dim3A_3 : vector<16xf32> to vector<16xf32>
    tpu.vector_store %arg6[%swap3A_453], %swap3A_456 {strides = array<i32>} : memref<2320xf32, #tpu.memory_space<vmem>>, vector<16xf32>,
    %swap3A_457 = arith.constant 1728 : index
    %swap3A_458 = tpu.vector_load %arg6[%swap3A_457] {strides = array<i32>} : memref<2320xf32, #tpu.memory_space<vmem>>, vector<16xf32>,
    %swap3A_459 = vector.shape_cast %swap3A_458 : vector<16xf32> to vector<16xf32>
    %swap3A_460 = vector.shape_cast %broadcast_in_dim3A_3 : vector<16xf32> to vector<16xf32>
    tpu.vector_store %arg6[%swap3A_457], %swap3A_460 {strides = array<i32>} : memref<2320xf32, #tpu.memory_space<vmem>>, vector<16xf32>,
    %swap3A_461 = arith.constant 1744 : index
    %swap3A_462 = tpu.vector_load %arg6[%swap3A_461] {strides = array<i32>} : memref<2320xf32, #tpu.memory_space<vmem>>, vector<16xf32>,
    %swap3A_463 = vector.shape_cast %swap3A_462 : vector<16xf32> to vector<16xf32>
    %swap3A_464 = vector.shape_cast %broadcast_in_dim3A_3 : vector<16xf32> to vector<16xf32>
    tpu.vector_store %arg6[%swap3A_461], %swap3A_464 {strides = array<i32>} : memref<2320xf32, #tpu.memory_space<vmem>>, vector<16xf32>,
    %swap3A_465 = arith.constant 1760 : index
    %swap3A_466 = tpu.vector_load %arg6[%swap3A_465] {strides = array<i32>} : memref<2320xf32, #tpu.memory_space<vmem>>, vector<16xf32>,
    %swap3A_467 = vector.shape_cast %swap3A_466 : vector<16xf32> to vector<16xf32>
    %swap3A_468 = vector.shape_cast %broadcast_in_dim3A_3 : vector<16xf32> to vector<16xf32>
    tpu.vector_store %arg6[%swap3A_465], %swap3A_468 {strides = array<i32>} : memref<2320xf32, #tpu.memory_space<vmem>>, vector<16xf32>,
    %swap3A_469 = arith.constant 1776 : index
    %swap3A_470 = tpu.vector_load %arg6[%swap3A_469] {strides = array<i32>} : memref<2320xf32, #tpu.memory_space<vmem>>, vector<16xf32>,
    %swap3A_471 = vector.shape_cast %swap3A_470 : vector<16xf32> to vector<16xf32>
    %swap3A_472 = vector.shape_cast %broadcast_in_dim3A_3 : vector<16xf32> to vector<16xf32>
    tpu.vector_store %arg6[%swap3A_469], %swap3A_472 {strides = array<i32>} : memref<2320xf32, #tpu.memory_space<vmem>>, vector<16xf32>,
    %swap3A_473 = arith.constant 1792 : index
    %swap3A_474 = tpu.vector_load %arg6[%swap3A_473] {strides = array<i32>} : memref<2320xf32, #tpu.memory_space<vmem>>, vector<16xf32>,
    %swap3A_475 = vector.shape_cast %swap3A_474 : vector<16xf32> to vector<16xf32>
    %swap3A_476 = vector.shape_cast %broadcast_in_dim3A_3 : vector<16xf32> to vector<16xf32>
    tpu.vector_store %arg6[%swap3A_473], %swap3A_476 {strides = array<i32>} : memref<2320xf32, #tpu.memory_space<vmem>>, vector<16xf32>,
    %swap3A_477 = arith.constant 1808 : index
    %swap3A_478 = tpu.vector_load %arg6[%swap3A_477] {strides = array<i32>} : memref<2320xf32, #tpu.memory_space<vmem>>, vector<16xf32>,
    %swap3A_479 = vector.shape_cast %swap3A_478 : vector<16xf32> to vector<16xf32>
    %swap3A_480 = vector.shape_cast %broadcast_in_dim3A_3 : vector<16xf32> to vector<16xf32>
    tpu.vector_store %arg6[%swap3A_477], %swap3A_480 {strides = array<i32>} : memref<2320xf32, #tpu.memory_space<vmem>>, vector<16xf32>,
    %swap3A_481 = arith.constant 1824 : index
    %swap3A_482 = tpu.vector_load %arg6[%swap3A_481] {strides = array<i32>} : memref<2320xf32, #tpu.memory_space<vmem>>, vector<16xf32>,
    %swap3A_483 = vector.shape_cast %swap3A_482 : vector<16xf32> to vector<16xf32>
    %swap3A_484 = vector.shape_cast %broadcast_in_dim3A_3 : vector<16xf32> to vector<16xf32>
    tpu.vector_store %arg6[%swap3A_481], %swap3A_484 {strides = array<i32>} : memref<2320xf32, #tpu.memory_space<vmem>>, vector<16xf32>,
    %swap3A_485 = arith.constant 1840 : index
    %swap3A_486 = tpu.vector_load %arg6[%swap3A_485] {strides = array<i32>} : memref<2320xf32, #tpu.memory_space<vmem>>, vector<16xf32>,
    %swap3A_487 = vector.shape_cast %swap3A_486 : vector<16xf32> to vector<16xf32>
    %swap3A_488 = vector.shape_cast %broadcast_in_dim3A_3 : vector<16xf32> to vector<16xf32>
    tpu.vector_store %arg6[%swap3A_485], %swap3A_488 {strides = array<i32>} : memref<2320xf32, #tpu.memory_space<vmem>>, vector<16xf32>,
    %swap3A_489 = arith.constant 1856 : index
    %swap3A_490 = tpu.vector_load %arg6[%swap3A_489] {strides = array<i32>} : memref<2320xf32, #tpu.memory_space<vmem>>, vector<16xf32>,
    %swap3A_491 = vector.shape_cast %swap3A_490 : vector<16xf32> to vector<16xf32>
    %swap3A_492 = vector.shape_cast %broadcast_in_dim3A_3 : vector<16xf32> to vector<16xf32>
    tpu.vector_store %arg6[%swap3A_489], %swap3A_492 {strides = array<i32>} : memref<2320xf32, #tpu.memory_space<vmem>>, vector<16xf32>,
    %swap3A_493 = arith.constant 1872 : index
    %swap3A_494 = tpu.vector_load %arg6[%swap3A_493] {strides = array<i32>} : memref<2320xf32, #tpu.memory_space<vmem>>, vector<16xf32>,
    %swap3A_495 = vector.shape_cast %swap3A_494 : vector<16xf32> to vector<16xf32>
    %swap3A_496 = vector.shape_cast %broadcast_in_dim3A_3 : vector<16xf32> to vector<16xf32>
    tpu.vector_store %arg6[%swap3A_493], %swap3A_496 {strides = array<i32>} : memref<2320xf32, #tpu.memory_space<vmem>>, vector<16xf32>,
    %swap3A_497 = arith.constant 1888 : index
    %swap3A_498 = tpu.vector_load %arg6[%swap3A_497] {strides = array<i32>} : memref<2320xf32, #tpu.memory_space<vmem>>, vector<16xf32>,
    %swap3A_499 = vector.shape_cast %swap3A_498 : vector<16xf32> to vector<16xf32>
    %swap3A_500 = vector.shape_cast %broadcast_in_dim3A_3 : vector<16xf32> to vector<16xf32>
    tpu.vector_store %arg6[%swap3A_497], %swap3A_500 {strides = array<i32>} : memref<2320xf32, #tpu.memory_space<vmem>>, vector<16xf32>,
    %swap3A_501 = arith.constant 1904 : index
    %swap3A_502 = tpu.vector_load %arg6[%swap3A_501] {strides = array<i32>} : memref<2320xf32, #tpu.memory_space<vmem>>, vector<16xf32>,
    %swap3A_503 = vector.shape_cast %swap3A_502 : vector<16xf32> to vector<16xf32>
    %swap3A_504 = vector.shape_cast %broadcast_in_dim3A_3 : vector<16xf32> to vector<16xf32>
    tpu.vector_store %arg6[%swap3A_501], %swap3A_504 {strides = array<i32>} : memref<2320xf32, #tpu.memory_space<vmem>>, vector<16xf32>,
    %swap3A_505 = arith.constant 1920 : index
    %swap3A_506 = tpu.vector_load %arg6[%swap3A_505] {strides = array<i32>} : memref<2320xf32, #tpu.memory_space<vmem>>, vector<16xf32>,
    %swap3A_507 = vector.shape_cast %swap3A_506 : vector<16xf32> to vector<16xf32>
    %swap3A_508 = vector.shape_cast %broadcast_in_dim3A_3 : vector<16xf32> to vector<16xf32>
    tpu.vector_store %arg6[%swap3A_505], %swap3A_508 {strides = array<i32>} : memref<2320xf32, #tpu.memory_space<vmem>>, vector<16xf32>,
    %swap3A_509 = arith.constant 1936 : index
    %swap3A_510 = tpu.vector_load %arg6[%swap3A_509] {strides = array<i32>} : memref<2320xf32, #tpu.memory_space<vmem>>, vector<16xf32>,
    %swap3A_511 = vector.shape_cast %swap3A_510 : vector<16xf32> to vector<16xf32>
    %swap3A_512 = vector.shape_cast %broadcast_in_dim3A_3 : vector<16xf32> to vector<16xf32>
    tpu.vector_store %arg6[%swap3A_509], %swap3A_512 {strides = array<i32>} : memref<2320xf32, #tpu.memory_space<vmem>>, vector<16xf32>,
    %swap3A_513 = arith.constant 1952 : index
    %swap3A_514 = tpu.vector_load %arg6[%swap3A_513] {strides = array<i32>} : memref<2320xf32, #tpu.memory_space<vmem>>, vector<16xf32>,
    %swap3A_515 = vector.shape_cast %swap3A_514 : vector<16xf32> to vector<16xf32>
    %swap3A_516 = vector.shape_cast %broadcast_in_dim3A_3 : vector<16xf32> to vector<16xf32>
    tpu.vector_store %arg6[%swap3A_513], %swap3A_516 {strides = array<i32>} : memref<2320xf32, #tpu.memory_space<vmem>>, vector<16xf32>,
    %swap3A_517 = arith.constant 1968 : index
    %swap3A_518 = tpu.vector_load %arg6[%swap3A_517] {strides = array<i32>} : memref<2320xf32, #tpu.memory_space<vmem>>, vector<16xf32>,
    %swap3A_519 = vector.shape_cast %swap3A_518 : vector<16xf32> to vector<16xf32>
    %swap3A_520 = vector.shape_cast %broadcast_in_dim3A_3 : vector<16xf32> to vector<16xf32>
    tpu.vector_store %arg6[%swap3A_517], %swap3A_520 {strides = array<i32>} : memref<2320xf32, #tpu.memory_space<vmem>>, vector<16xf32>,
    %swap3A_521 = arith.constant 1984 : index
    %swap3A_522 = tpu.vector_load %arg6[%swap3A_521] {strides = array<i32>} : memref<2320xf32, #tpu.memory_space<vmem>>, vector<16xf32>,
    %swap3A_523 = vector.shape_cast %swap3A_522 : vector<16xf32> to vector<16xf32>
    %swap3A_524 = vector.shape_cast %broadcast_in_dim3A_3 : vector<16xf32> to vector<16xf32>
    tpu.vector_store %arg6[%swap3A_521], %swap3A_524 {strides = array<i32>} : memref<2320xf32, #tpu.memory_space<vmem>>, vector<16xf32>,
    %swap3A_525 = arith.constant 2000 : index
    %swap3A_526 = tpu.vector_load %arg6[%swap3A_525] {strides = array<i32>} : memref<2320xf32, #tpu.memory_space<vmem>>, vector<16xf32>,
    %swap3A_527 = vector.shape_cast %swap3A_526 : vector<16xf32> to vector<16xf32>
    %swap3A_528 = vector.shape_cast %broadcast_in_dim3A_3 : vector<16xf32> to vector<16xf32>
    tpu.vector_store %arg6[%swap3A_525], %swap3A_528 {strides = array<i32>} : memref<2320xf32, #tpu.memory_space<vmem>>, vector<16xf32>,
    %swap3A_529 = arith.constant 2016 : index
    %swap3A_530 = tpu.vector_load %arg6[%swap3A_529] {strides = array<i32>} : memref<2320xf32, #tpu.memory_space<vmem>>, vector<16xf32>,
    %swap3A_531 = vector.shape_cast %swap3A_530 : vector<16xf32> to vector<16xf32>
    %swap3A_532 = vector.shape_cast %broadcast_in_dim3A_3 : vector<16xf32> to vector<16xf32>
    tpu.vector_store %arg6[%swap3A_529], %swap3A_532 {strides = array<i32>} : memref<2320xf32, #tpu.memory_space<vmem>>, vector<16xf32>,
    %swap3A_533 = arith.constant 2032 : index
    %swap3A_534 = tpu.vector_load %arg6[%swap3A_533] {strides = array<i32>} : memref<2320xf32, #tpu.memory_space<vmem>>, vector<16xf32>,
    %swap3A_535 = vector.shape_cast %swap3A_534 : vector<16xf32> to vector<16xf32>
    %swap3A_536 = vector.shape_cast %broadcast_in_dim3A_3 : vector<16xf32> to vector<16xf32>
    tpu.vector_store %arg6[%swap3A_533], %swap3A_536 {strides = array<i32>} : memref<2320xf32, #tpu.memory_space<vmem>>, vector<16xf32>,
    %swap3A_537 = arith.constant 2048 : index
    %swap3A_538 = tpu.vector_load %arg6[%swap3A_537] {strides = array<i32>} : memref<2320xf32, #tpu.memory_space<vmem>>, vector<16xf32>,
    %swap3A_539 = vector.shape_cast %swap3A_538 : vector<16xf32> to vector<16xf32>
    %swap3A_540 = vector.shape_cast %broadcast_in_dim3A_3 : vector<16xf32> to vector<16xf32>
    tpu.vector_store %arg6[%swap3A_537], %swap3A_540 {strides = array<i32>} : memref<2320xf32, #tpu.memory_space<vmem>>, vector<16xf32>,
    %swap3A_541 = arith.constant 2064 : index
    %swap3A_542 = tpu.vector_load %arg6[%swap3A_541] {strides = array<i32>} : memref<2320xf32, #tpu.memory_space<vmem>>, vector<16xf32>,
    %swap3A_543 = vector.shape_cast %swap3A_542 : vector<16xf32> to vector<16xf32>
    %swap3A_544 = vector.shape_cast %broadcast_in_dim3A_3 : vector<16xf32> to vector<16xf32>
    tpu.vector_store %arg6[%swap3A_541], %swap3A_544 {strides = array<i32>} : memref<2320xf32, #tpu.memory_space<vmem>>, vector<16xf32>,
    %swap3A_545 = arith.constant 2080 : index
    %swap3A_546 = tpu.vector_load %arg6[%swap3A_545] {strides = array<i32>} : memref<2320xf32, #tpu.memory_space<vmem>>, vector<16xf32>,
    %swap3A_547 = vector.shape_cast %swap3A_546 : vector<16xf32> to vector<16xf32>
    %swap3A_548 = vector.shape_cast %broadcast_in_dim3A_3 : vector<16xf32> to vector<16xf32>
    tpu.vector_store %arg6[%swap3A_545], %swap3A_548 {strides = array<i32>} : memref<2320xf32, #tpu.memory_space<vmem>>, vector<16xf32>,
    %swap3A_549 = arith.constant 2096 : index
    %swap3A_550 = tpu.vector_load %arg6[%swap3A_549] {strides = array<i32>} : memref<2320xf32, #tpu.memory_space<vmem>>, vector<16xf32>,
    %swap3A_551 = vector.shape_cast %swap3A_550 : vector<16xf32> to vector<16xf32>
    %swap3A_552 = vector.shape_cast %broadcast_in_dim3A_3 : vector<16xf32> to vector<16xf32>
    tpu.vector_store %arg6[%swap3A_549], %swap3A_552 {strides = array<i32>} : memref<2320xf32, #tpu.memory_space<vmem>>, vector<16xf32>,
    %swap3A_553 = arith.constant 2112 : index
    %swap3A_554 = tpu.vector_load %arg6[%swap3A_553] {strides = array<i32>} : memref<2320xf32, #tpu.memory_space<vmem>>, vector<16xf32>,
    %swap3A_555 = vector.shape_cast %swap3A_554 : vector<16xf32> to vector<16xf32>
    %swap3A_556 = vector.shape_cast %broadcast_in_dim3A_3 : vector<16xf32> to vector<16xf32>
    tpu.vector_store %arg6[%swap3A_553], %swap3A_556 {strides = array<i32>} : memref<2320xf32, #tpu.memory_space<vmem>>, vector<16xf32>,
    %swap3A_557 = arith.constant 2128 : index
    %swap3A_558 = tpu.vector_load %arg6[%swap3A_557] {strides = array<i32>} : memref<2320xf32, #tpu.memory_space<vmem>>, vector<16xf32>,
    %swap3A_559 = vector.shape_cast %swap3A_558 : vector<16xf32> to vector<16xf32>
    %swap3A_560 = vector.shape_cast %broadcast_in_dim3A_3 : vector<16xf32> to vector<16xf32>
    tpu.vector_store %arg6[%swap3A_557], %swap3A_560 {strides = array<i32>} : memref<2320xf32, #tpu.memory_space<vmem>>, vector<16xf32>,
    %swap3A_561 = arith.constant 2144 : index
    %swap3A_562 = tpu.vector_load %arg6[%swap3A_561] {strides = array<i32>} : memref<2320xf32, #tpu.memory_space<vmem>>, vector<16xf32>,
    %swap3A_563 = vector.shape_cast %swap3A_562 : vector<16xf32> to vector<16xf32>
    %swap3A_564 = vector.shape_cast %broadcast_in_dim3A_3 : vector<16xf32> to vector<16xf32>
    tpu.vector_store %arg6[%swap3A_561], %swap3A_564 {strides = array<i32>} : memref<2320xf32, #tpu.memory_space<vmem>>, vector<16xf32>,
    %swap3A_565 = arith.constant 2160 : index
    %swap3A_566 = tpu.vector_load %arg6[%swap3A_565] {strides = array<i32>} : memref<2320xf32, #tpu.memory_space<vmem>>, vector<16xf32>,
    %swap3A_567 = vector.shape_cast %swap3A_566 : vector<16xf32> to vector<16xf32>
    %swap3A_568 = vector.shape_cast %broadcast_in_dim3A_3 : vector<16xf32> to vector<16xf32>
    tpu.vector_store %arg6[%swap3A_565], %swap3A_568 {strides = array<i32>} : memref<2320xf32, #tpu.memory_space<vmem>>, vector<16xf32>,
    %swap3A_569 = arith.constant 2176 : index
    %swap3A_570 = tpu.vector_load %arg6[%swap3A_569] {strides = array<i32>} : memref<2320xf32, #tpu.memory_space<vmem>>, vector<16xf32>,
    %swap3A_571 = vector.shape_cast %swap3A_570 : vector<16xf32> to vector<16xf32>
    %swap3A_572 = vector.shape_cast %broadcast_in_dim3A_3 : vector<16xf32> to vector<16xf32>
    tpu.vector_store %arg6[%swap3A_569], %swap3A_572 {strides = array<i32>} : memref<2320xf32, #tpu.memory_space<vmem>>, vector<16xf32>,
    %swap3A_573 = arith.constant 2192 : index
    %swap3A_574 = tpu.vector_load %arg6[%swap3A_573] {strides = array<i32>} : memref<2320xf32, #tpu.memory_space<vmem>>, vector<16xf32>,
    %swap3A_575 = vector.shape_cast %swap3A_574 : vector<16xf32> to vector<16xf32>
    %swap3A_576 = vector.shape_cast %broadcast_in_dim3A_3 : vector<16xf32> to vector<16xf32>
    tpu.vector_store %arg6[%swap3A_573], %swap3A_576 {strides = array<i32>} : memref<2320xf32, #tpu.memory_space<vmem>>, vector<16xf32>,
    %swap3A_577 = arith.constant 2208 : index
    %swap3A_578 = tpu.vector_load %arg6[%swap3A_577] {strides = array<i32>} : memref<2320xf32, #tpu.memory_space<vmem>>, vector<16xf32>,
    %swap3A_579 = vector.shape_cast %swap3A_578 : vector<16xf32> to vector<16xf32>
    %swap3A_580 = vector.shape_cast %broadcast_in_dim3A_3 : vector<16xf32> to vector<16xf32>
    tpu.vector_store %arg6[%swap3A_577], %swap3A_580 {strides = array<i32>} : memref<2320xf32, #tpu.memory_space<vmem>>, vector<16xf32>,
    %swap3A_581 = arith.constant 2224 : index
    %swap3A_582 = tpu.vector_load %arg6[%swap3A_581] {strides = array<i32>} : memref<2320xf32, #tpu.memory_space<vmem>>, vector<16xf32>,
    %swap3A_583 = vector.shape_cast %swap3A_582 : vector<16xf32> to vector<16xf32>
    %swap3A_584 = vector.shape_cast %broadcast_in_dim3A_3 : vector<16xf32> to vector<16xf32>
    tpu.vector_store %arg6[%swap3A_581], %swap3A_584 {strides = array<i32>} : memref<2320xf32, #tpu.memory_space<vmem>>, vector<16xf32>,
    %swap3A_585 = arith.constant 2240 : index
    %swap3A_586 = tpu.vector_load %arg6[%swap3A_585] {strides = array<i32>} : memref<2320xf32, #tpu.memory_space<vmem>>, vector<16xf32>,
    %swap3A_587 = vector.shape_cast %swap3A_586 : vector<16xf32> to vector<16xf32>
    %swap3A_588 = vector.shape_cast %broadcast_in_dim3A_3 : vector<16xf32> to vector<16xf32>
    tpu.vector_store %arg6[%swap3A_585], %swap3A_588 {strides = array<i32>} : memref<2320xf32, #tpu.memory_space<vmem>>, vector<16xf32>,
    %swap3A_589 = arith.constant 2256 : index
    %swap3A_590 = tpu.vector_load %arg6[%swap3A_589] {strides = array<i32>} : memref<2320xf32, #tpu.memory_space<vmem>>, vector<16xf32>,
    %swap3A_591 = vector.shape_cast %swap3A_590 : vector<16xf32> to vector<16xf32>
    %swap3A_592 = vector.shape_cast %broadcast_in_dim3A_3 : vector<16xf32> to vector<16xf32>
    tpu.vector_store %arg6[%swap3A_589], %swap3A_592 {strides = array<i32>} : memref<2320xf32, #tpu.memory_space<vmem>>, vector<16xf32>,
    %swap3A_593 = arith.constant 2272 : index
    %swap3A_594 = tpu.vector_load %arg6[%swap3A_593] {strides = array<i32>} : memref<2320xf32, #tpu.memory_space<vmem>>, vector<16xf32>,
    %swap3A_595 = vector.shape_cast %swap3A_594 : vector<16xf32> to vector<16xf32>
    %swap3A_596 = vector.shape_cast %broadcast_in_dim3A_3 : vector<16xf32> to vector<16xf32>
    tpu.vector_store %arg6[%swap3A_593], %swap3A_596 {strides = array<i32>} : memref<2320xf32, #tpu.memory_space<vmem>>, vector<16xf32>,
    %swap3A_597 = arith.constant 2288 : index
    %swap3A_598 = tpu.vector_load %arg6[%swap3A_597] {strides = array<i32>} : memref<2320xf32, #tpu.memory_space<vmem>>, vector<16xf32>,
    %swap3A_599 = vector.shape_cast %swap3A_598 : vector<16xf32> to vector<16xf32>
    %swap3A_600 = vector.shape_cast %broadcast_in_dim3A_3 : vector<16xf32> to vector<16xf32>
    tpu.vector_store %arg6[%swap3A_597], %swap3A_600 {strides = array<i32>} : memref<2320xf32, #tpu.memory_space<vmem>>, vector<16xf32>,
    %swap3A_601 = arith.constant 2304 : index
    %swap3A_602 = tpu.vector_load %arg6[%swap3A_601] {strides = array<i32>} : memref<2320xf32, #tpu.memory_space<vmem>>, vector<16xf32>,
    %swap3A_603 = vector.shape_cast %swap3A_602 : vector<16xf32> to vector<16xf32>
    %swap3A_604 = vector.shape_cast %broadcast_in_dim3A_3 : vector<16xf32> to vector<16xf32>
    tpu.vector_store %arg6[%swap3A_601], %swap3A_604 {strides = array<i32>} : memref<2320xf32, #tpu.memory_space<vmem>>, vector<16xf32>,
    %mul3A_605 = arith.constant 512 : i32
    %mul3A_606 = arith.muli %arg1, %mul3A_605 : i32
    %lt3A = arith.constant 15 : i32
    %lt3A_607 = arith.cmpi slt, %arg1, %lt3A : i32
    %convert_element_type3A = arith.extui %lt3A_607 : i1 to i32
    %cond3A = arith.constant 0 : i32
    %cond3A_608 = arith.cmpi ne, %convert_element_type3A, %cond3A : i32
    scf.if %cond3A_608 {
      "tpu.region"() ({
        %run_scoped3A = tpu.sem_alloc : memref<!tpu.dma_semaphore, #tpu.memory_space<semaphore_mem>>
        %dma_start3A = arith.constant 0 : i32
        %dma_start3A_629 = tpu.memref_slice %arg6[%dma_start3A] : memref<2320xf32, #tpu.memory_space<vmem>> -> memref<512xf32, #tpu.memory_space<vmem>>
        %dma_start3A_630 = tpu.memref_slice %arg7[%mul3A_606] : memref<10000xf32, #tpu.memory_space<vmem_shared>> -> memref<512xf32, #tpu.memory_space<vmem_shared>>
        %dma_start3A_631 = tpu.memref_slice %arg7[%mul3A_606] : memref<10000xf32, #tpu.memory_space<vmem_shared>> -> memref<512xf32, #tpu.memory_space<vmem_shared>>
        %dma_start3A_632 = arith.constant 0 : i32
        %dma_start3A_633 = tpu.memref_slice %arg6[%dma_start3A_632] : memref<2320xf32, #tpu.memory_space<vmem>> -> memref<512xf32, #tpu.memory_space<vmem>>
        tpu.enqueue_dma source(%dma_start3A_633 : memref<512xf32, #tpu.memory_space<vmem>>) target(%dma_start3A_631 : memref<512xf32, #tpu.memory_space<vmem_shared>>) target_semaphore(%run_scoped3A : memref<!tpu.dma_semaphore, #tpu.memory_space<semaphore_mem>>)
        %dma_wait3A = arith.constant 0 : i32
        %dma_wait3A_634 = tpu.memref_slice %arg6[%dma_wait3A] : memref<2320xf32, #tpu.memory_space<vmem>> -> memref<512xf32, #tpu.memory_space<vmem>>
        %dma_wait3A_635 = tpu.memref_slice %arg7[%mul3A_606] : memref<10000xf32, #tpu.memory_space<vmem_shared>> -> memref<512xf32, #tpu.memory_space<vmem_shared>>
        %dma_wait3A_636 = tpu.memref_slice %arg7[%mul3A_606] : memref<10000xf32, #tpu.memory_space<vmem_shared>> -> memref<512xf32, #tpu.memory_space<vmem_shared>>
        %dma_wait3A_637 = arith.constant 0 : i32
        %dma_wait3A_638 = tpu.memref_slice %arg6[%dma_wait3A_637] : memref<2320xf32, #tpu.memory_space<vmem>> -> memref<512xf32, #tpu.memory_space<vmem>>
        tpu.wait_dma2 semaphore(%run_scoped3A : memref<!tpu.dma_semaphore, #tpu.memory_space<semaphore_mem>>) src(%dma_wait3A_638 : memref<512xf32, #tpu.memory_space<vmem>>) dst(%dma_wait3A_636 : memref<512xf32, #tpu.memory_space<vmem_shared>>)
        tpu.yield
      }) : () -> ()
    } else {
    }
    %eq3A = arith.constant 15 : i32
    %eq3A_609 = arith.cmpi eq, %arg1, %eq3A : i32
    %convert_element_type3A_610 = arith.extui %eq3A_609 : i1 to i32
    %cond3A_611 = arith.constant 0 : i32
    %cond3A_612 = arith.cmpi ne, %convert_element_type3A_610, %cond3A_611 : i32
    scf.if %cond3A_612 {
      "tpu.region"() ({
        %run_scoped3A = tpu.sem_alloc : memref<!tpu.dma_semaphore, #tpu.memory_space<semaphore_mem>>
        %dma_start3A = arith.constant 0 : i32
        %dma_start3A_629 = tpu.memref_slice %arg6[%dma_start3A] : memref<2320xf32, #tpu.memory_space<vmem>> -> memref<2320xf32, #tpu.memory_space<vmem>>
        %dma_start3A_630 = arith.constant 7680 : i32
        %dma_start3A_631 = tpu.memref_slice %arg7[%dma_start3A_630] : memref<10000xf32, #tpu.memory_space<vmem_shared>> -> memref<2320xf32, #tpu.memory_space<vmem_shared>>
        %dma_start3A_632 = arith.constant 7680 : i32
        %dma_start3A_633 = tpu.memref_slice %arg7[%dma_start3A_632] : memref<10000xf32, #tpu.memory_space<vmem_shared>> -> memref<2320xf32, #tpu.memory_space<vmem_shared>>
        %dma_start3A_634 = arith.constant 0 : i32
        %dma_start3A_635 = tpu.memref_slice %arg6[%dma_start3A_634] : memref<2320xf32, #tpu.memory_space<vmem>> -> memref<2320xf32, #tpu.memory_space<vmem>>
        tpu.enqueue_dma source(%dma_start3A_635 : memref<2320xf32, #tpu.memory_space<vmem>>) target(%dma_start3A_633 : memref<2320xf32, #tpu.memory_space<vmem_shared>>) target_semaphore(%run_scoped3A : memref<!tpu.dma_semaphore, #tpu.memory_space<semaphore_mem>>)
        %dma_wait3A = arith.constant 0 : i32
        %dma_wait3A_636 = tpu.memref_slice %arg6[%dma_wait3A] : memref<2320xf32, #tpu.memory_space<vmem>> -> memref<2320xf32, #tpu.memory_space<vmem>>
        %dma_wait3A_637 = arith.constant 7680 : i32
        %dma_wait3A_638 = tpu.memref_slice %arg7[%dma_wait3A_637] : memref<10000xf32, #tpu.memory_space<vmem_shared>> -> memref<2320xf32, #tpu.memory_space<vmem_shared>>
        %dma_wait3A_639 = arith.constant 7680 : i32
        %dma_wait3A_640 = tpu.memref_slice %arg7[%dma_wait3A_639] : memref<10000xf32, #tpu.memory_space<vmem_shared>> -> memref<2320xf32, #tpu.memory_space<vmem_shared>>
        %dma_wait3A_641 = arith.constant 0 : i32
        %dma_wait3A_642 = tpu.memref_slice %arg6[%dma_wait3A_641] : memref<2320xf32, #tpu.memory_space<vmem>> -> memref<2320xf32, #tpu.memory_space<vmem>>
        tpu.wait_dma2 semaphore(%run_scoped3A : memref<!tpu.dma_semaphore, #tpu.memory_space<semaphore_mem>>) src(%dma_wait3A_642 : memref<2320xf32, #tpu.memory_space<vmem>>) dst(%dma_wait3A_640 : memref<2320xf32, #tpu.memory_space<vmem_shared>>)
        tpu.yield
      }) : () -> ()
    } else {
    }
    %barrier3A = arith.constant 0 : index
    tpu.barrier barrier_id(%barrier3A)
    %scan3A = arith.constant 0 : i32
    %scan3A_613 = arith.constant 0 : i32
    %scan3A_614 = arith.constant 125 : i32
    %scan3A_615 = arith.addi %scan3A_613, %scan3A_614 : i32
    %scan3A_616 = arith.constant 1 : i32
    scf.for %scan3A_629 = %scan3A_613 to %scan3A_615 step %scan3A_616  : i32 {
      %mul3A_630 = arith.constant 80 : i32
      %mul3A_631 = arith.muli %scan3A_629, %mul3A_630 : i32
      %add3A_632 = arith.addi %mul3A_2, %mul3A_631 : i32
      "tpu.region"() ({
        %run_scoped3A = tpu.sem_alloc : memref<!tpu.dma_semaphore, #tpu.memory_space<semaphore_mem>>
        %dma_start3A = tpu.memref_slice %arg2[%add3A_632] : memref<320000xi32, #tpu.memory_space<hbm>> -> memref<80xi32, #tpu.memory_space<hbm>>
        %dma_start3A_633 = tpu.memref_slice %arg2[%add3A_632] : memref<320000xi32, #tpu.memory_space<hbm>> -> memref<80xi32, #tpu.memory_space<hbm>>
        tpu.enqueue_dma source(%dma_start3A_633 : memref<80xi32, #tpu.memory_space<hbm>>) target(%arg4 : memref<80xi32, #tpu.memory_space<vmem>>) target_semaphore(%run_scoped3A : memref<!tpu.dma_semaphore, #tpu.memory_space<semaphore_mem>>)
        %dma_wait3A = tpu.memref_slice %arg2[%add3A_632] : memref<320000xi32, #tpu.memory_space<hbm>> -> memref<80xi32, #tpu.memory_space<hbm>>
        %dma_wait3A_634 = tpu.memref_slice %arg2[%add3A_632] : memref<320000xi32, #tpu.memory_space<hbm>> -> memref<80xi32, #tpu.memory_space<hbm>>
        tpu.wait_dma2 semaphore(%run_scoped3A : memref<!tpu.dma_semaphore, #tpu.memory_space<semaphore_mem>>) src(%dma_wait3A_634 : memref<80xi32, #tpu.memory_space<hbm>>) dst(%arg4 : memref<80xi32, #tpu.memory_space<vmem>>)
        tpu.yield
      }) : () -> ()
      "tpu.region"() ({
        %run_scoped3A = tpu.sem_alloc : memref<!tpu.dma_semaphore, #tpu.memory_space<semaphore_mem>>
        %dma_start3A = arith.constant 0 : i32
        %dma_start3A_633 = tpu.memref_slice %arg7[%dma_start3A] : memref<10000xf32, #tpu.memory_space<vmem_shared>> -> memref<10000xf32, #tpu.memory_space<vmem_shared>>
        tpu.enqueue_indirect_dma source(%arg5 : memref<80xf32, #tpu.memory_space<vmem>>) target(%dma_start3A_633 : memref<10000xf32, #tpu.memory_space<vmem_shared>>) offsets(%arg4 : memref<80xi32, #tpu.memory_space<vmem>>) semaphore(%run_scoped3A : memref<!tpu.dma_semaphore, #tpu.memory_space<semaphore_mem>>) {add = true}
        %dma_wait3A = arith.constant 0 : i32
        %dma_wait3A_634 = tpu.memref_slice %arg7[%dma_wait3A] : memref<10000xf32, #tpu.memory_space<vmem_shared>> -> memref<10000xf32, #tpu.memory_space<vmem_shared>>
        tpu.wait_indirect_dma semaphore(%run_scoped3A : memref<!tpu.dma_semaphore, #tpu.memory_space<semaphore_mem>>) src(%arg5 : memref<80xf32, #tpu.memory_space<vmem>>) dst(%dma_wait3A_634 : memref<10000xf32, #tpu.memory_space<vmem_shared>>)
        tpu.yield
      }) : () -> ()
    }
    %scan3A_617 = arith.constant 125 : i32
    %barrier3A_618 = arith.constant 0 : index
    tpu.barrier barrier_id(%barrier3A_618)
    %lt3A_619 = arith.constant 15 : i32
    %lt3A_620 = arith.cmpi slt, %arg1, %lt3A_619 : i32
    %convert_element_type3A_621 = arith.extui %lt3A_620 : i1 to i32
    %cond3A_622 = arith.constant 0 : i32
    %cond3A_623 = arith.cmpi ne, %convert_element_type3A_621, %cond3A_622 : i32
    scf.if %cond3A_623 {
      "tpu.region"() ({
        %run_scoped3A = tpu.sem_alloc : memref<!tpu.dma_semaphore, #tpu.memory_space<semaphore_mem>>
        %dma_start3A = arith.constant 0 : i32
        %dma_start3A_629 = tpu.memref_slice %arg6[%dma_start3A] : memref<2320xf32, #tpu.memory_space<vmem>> -> memref<512xf32, #tpu.memory_space<vmem>>
        %dma_start3A_630 = tpu.memref_slice %arg7[%mul3A_606] : memref<10000xf32, #tpu.memory_space<vmem_shared>> -> memref<512xf32, #tpu.memory_space<vmem_shared>>
        %dma_start3A_631 = arith.constant 0 : i32
        %dma_start3A_632 = tpu.memref_slice %arg6[%dma_start3A_631] : memref<2320xf32, #tpu.memory_space<vmem>> -> memref<512xf32, #tpu.memory_space<vmem>>
        %dma_start3A_633 = tpu.memref_slice %arg7[%mul3A_606] : memref<10000xf32, #tpu.memory_space<vmem_shared>> -> memref<512xf32, #tpu.memory_space<vmem_shared>>
        tpu.enqueue_dma source(%dma_start3A_633 : memref<512xf32, #tpu.memory_space<vmem_shared>>) target(%dma_start3A_632 : memref<512xf32, #tpu.memory_space<vmem>>) target_semaphore(%run_scoped3A : memref<!tpu.dma_semaphore, #tpu.memory_space<semaphore_mem>>)
        %dma_wait3A = arith.constant 0 : i32
        %dma_wait3A_634 = tpu.memref_slice %arg6[%dma_wait3A] : memref<2320xf32, #tpu.memory_space<vmem>> -> memref<512xf32, #tpu.memory_space<vmem>>
        %dma_wait3A_635 = tpu.memref_slice %arg7[%mul3A_606] : memref<10000xf32, #tpu.memory_space<vmem_shared>> -> memref<512xf32, #tpu.memory_space<vmem_shared>>
        %dma_wait3A_636 = arith.constant 0 : i32
        %dma_wait3A_637 = tpu.memref_slice %arg6[%dma_wait3A_636] : memref<2320xf32, #tpu.memory_space<vmem>> -> memref<512xf32, #tpu.memory_space<vmem>>
        %dma_wait3A_638 = tpu.memref_slice %arg7[%mul3A_606] : memref<10000xf32, #tpu.memory_space<vmem_shared>> -> memref<512xf32, #tpu.memory_space<vmem_shared>>
        tpu.wait_dma2 semaphore(%run_scoped3A : memref<!tpu.dma_semaphore, #tpu.memory_space<semaphore_mem>>) src(%dma_wait3A_638 : memref<512xf32, #tpu.memory_space<vmem_shared>>) dst(%dma_wait3A_637 : memref<512xf32, #tpu.memory_space<vmem>>)
        tpu.yield
      }) : () -> ()
      "tpu.region"() ({
        %run_scoped3A = tpu.sem_alloc : memref<!tpu.dma_semaphore, #tpu.memory_space<semaphore_mem>>
        %dma_start3A = arith.constant 0 : i32
        %dma_start3A_629 = tpu.memref_slice %arg6[%dma_start3A] : memref<2320xf32, #tpu.memory_space<vmem>> -> memref<512xf32, #tpu.memory_space<vmem>>
        %dma_start3A_630 = arith.constant 0 : i32
        %dma_start3A_631 = tpu.memref_slice %arg3[%arg0, %dma_start3A_630] : memref<2x10000xf32, #tpu.memory_space<hbm>> -> memref<1x10000xf32, #tpu.memory_space<hbm>>
        %dma_start3A_632 = tpu.memref_squeeze %dma_start3A_631 : memref<1x10000xf32, #tpu.memory_space<hbm>> -> memref<10000xf32, #tpu.memory_space<hbm>>
        %dma_start3A_633 = tpu.memref_slice %dma_start3A_632[%mul3A_606] : memref<10000xf32, #tpu.memory_space<hbm>> -> memref<512xf32, #tpu.memory_space<hbm>>
        %dma_start3A_634 = arith.constant 0 : i32
        %dma_start3A_635 = tpu.memref_slice %arg3[%arg0, %dma_start3A_634] : memref<2x10000xf32, #tpu.memory_space<hbm>> -> memref<1x10000xf32, #tpu.memory_space<hbm>>
        %dma_start3A_636 = tpu.memref_squeeze %dma_start3A_635 : memref<1x10000xf32, #tpu.memory_space<hbm>> -> memref<10000xf32, #tpu.memory_space<hbm>>
        %dma_start3A_637 = tpu.memref_slice %dma_start3A_636[%mul3A_606] : memref<10000xf32, #tpu.memory_space<hbm>> -> memref<512xf32, #tpu.memory_space<hbm>>
        %dma_start3A_638 = arith.constant 0 : i32
        %dma_start3A_639 = tpu.memref_slice %arg6[%dma_start3A_638] : memref<2320xf32, #tpu.memory_space<vmem>> -> memref<512xf32, #tpu.memory_space<vmem>>
        tpu.enqueue_dma source(%dma_start3A_639 : memref<512xf32, #tpu.memory_space<vmem>>) target(%dma_start3A_637 : memref<512xf32, #tpu.memory_space<hbm>>) target_semaphore(%run_scoped3A : memref<!tpu.dma_semaphore, #tpu.memory_space<semaphore_mem>>)
        %dma_wait3A = arith.constant 0 : i32
        %dma_wait3A_640 = tpu.memref_slice %arg6[%dma_wait3A] : memref<2320xf32, #tpu.memory_space<vmem>> -> memref<512xf32, #tpu.memory_space<vmem>>
        %dma_wait3A_641 = arith.constant 0 : i32
        %dma_wait3A_642 = tpu.memref_slice %arg3[%arg0, %dma_wait3A_641] : memref<2x10000xf32, #tpu.memory_space<hbm>> -> memref<1x10000xf32, #tpu.memory_space<hbm>>
        %dma_wait3A_643 = tpu.memref_squeeze %dma_wait3A_642 : memref<1x10000xf32, #tpu.memory_space<hbm>> -> memref<10000xf32, #tpu.memory_space<hbm>>
        %dma_wait3A_644 = tpu.memref_slice %dma_wait3A_643[%mul3A_606] : memref<10000xf32, #tpu.memory_space<hbm>> -> memref<512xf32, #tpu.memory_space<hbm>>
        %dma_wait3A_645 = arith.constant 0 : i32
        %dma_wait3A_646 = tpu.memref_slice %arg3[%arg0, %dma_wait3A_645] : memref<2x10000xf32, #tpu.memory_space<hbm>> -> memref<1x10000xf32, #tpu.memory_space<hbm>>
        %dma_wait3A_647 = tpu.memref_squeeze %dma_wait3A_646 : memref<1x10000xf32, #tpu.memory_space<hbm>> -> memref<10000xf32, #tpu.memory_space<hbm>>
        %dma_wait3A_648 = tpu.memref_slice %dma_wait3A_647[%mul3A_606] : memref<10000xf32, #tpu.memory_space<hbm>> -> memref<512xf32, #tpu.memory_space<hbm>>
        %dma_wait3A_649 = arith.constant 0 : i32
        %dma_wait3A_650 = tpu.memref_slice %arg6[%dma_wait3A_649] : memref<2320xf32, #tpu.memory_space<vmem>> -> memref<512xf32, #tpu.memory_space<vmem>>
        tpu.wait_dma2 semaphore(%run_scoped3A : memref<!tpu.dma_semaphore, #tpu.memory_space<semaphore_mem>>) src(%dma_wait3A_650 : memref<512xf32, #tpu.memory_space<vmem>>) dst(%dma_wait3A_648 : memref<512xf32, #tpu.memory_space<hbm>>)
        tpu.yield
      }) : () -> ()
    } else {
    }
    %eq3A_624 = arith.constant 15 : i32
    %eq3A_625 = arith.cmpi eq, %arg1, %eq3A_624 : i32
    %convert_element_type3A_626 = arith.extui %eq3A_625 : i1 to i32
    %cond3A_627 = arith.constant 0 : i32
    %cond3A_628 = arith.cmpi ne, %convert_element_type3A_626, %cond3A_627 : i32
    scf.if %cond3A_628 {
      "tpu.region"() ({
        %run_scoped3A = tpu.sem_alloc : memref<!tpu.dma_semaphore, #tpu.memory_space<semaphore_mem>>
        %dma_start3A = arith.constant 0 : i32
        %dma_start3A_629 = tpu.memref_slice %arg6[%dma_start3A] : memref<2320xf32, #tpu.memory_space<vmem>> -> memref<2320xf32, #tpu.memory_space<vmem>>
        %dma_start3A_630 = arith.constant 7680 : i32
        %dma_start3A_631 = tpu.memref_slice %arg7[%dma_start3A_630] : memref<10000xf32, #tpu.memory_space<vmem_shared>> -> memref<2320xf32, #tpu.memory_space<vmem_shared>>
        %dma_start3A_632 = arith.constant 0 : i32
        %dma_start3A_633 = tpu.memref_slice %arg6[%dma_start3A_632] : memref<2320xf32, #tpu.memory_space<vmem>> -> memref<2320xf32, #tpu.memory_space<vmem>>
        %dma_start3A_634 = arith.constant 7680 : i32
        %dma_start3A_635 = tpu.memref_slice %arg7[%dma_start3A_634] : memref<10000xf32, #tpu.memory_space<vmem_shared>> -> memref<2320xf32, #tpu.memory_space<vmem_shared>>
        tpu.enqueue_dma source(%dma_start3A_635 : memref<2320xf32, #tpu.memory_space<vmem_shared>>) target(%dma_start3A_633 : memref<2320xf32, #tpu.memory_space<vmem>>) target_semaphore(%run_scoped3A : memref<!tpu.dma_semaphore, #tpu.memory_space<semaphore_mem>>)
        %dma_wait3A = arith.constant 0 : i32
        %dma_wait3A_636 = tpu.memref_slice %arg6[%dma_wait3A] : memref<2320xf32, #tpu.memory_space<vmem>> -> memref<2320xf32, #tpu.memory_space<vmem>>
        %dma_wait3A_637 = arith.constant 7680 : i32
        %dma_wait3A_638 = tpu.memref_slice %arg7[%dma_wait3A_637] : memref<10000xf32, #tpu.memory_space<vmem_shared>> -> memref<2320xf32, #tpu.memory_space<vmem_shared>>
        %dma_wait3A_639 = arith.constant 0 : i32
        %dma_wait3A_640 = tpu.memref_slice %arg6[%dma_wait3A_639] : memref<2320xf32, #tpu.memory_space<vmem>> -> memref<2320xf32, #tpu.memory_space<vmem>>
        %dma_wait3A_641 = arith.constant 7680 : i32
        %dma_wait3A_642 = tpu.memref_slice %arg7[%dma_wait3A_641] : memref<10000xf32, #tpu.memory_space<vmem_shared>> -> memref<2320xf32, #tpu.memory_space<vmem_shared>>
        tpu.wait_dma2 semaphore(%run_scoped3A : memref<!tpu.dma_semaphore, #tpu.memory_space<semaphore_mem>>) src(%dma_wait3A_642 : memref<2320xf32, #tpu.memory_space<vmem_shared>>) dst(%dma_wait3A_640 : memref<2320xf32, #tpu.memory_space<vmem>>)
        tpu.yield
      }) : () -> ()
      "tpu.region"() ({
        %run_scoped3A = tpu.sem_alloc : memref<!tpu.dma_semaphore, #tpu.memory_space<semaphore_mem>>
        %dma_start3A = arith.constant 0 : i32
        %dma_start3A_629 = tpu.memref_slice %arg6[%dma_start3A] : memref<2320xf32, #tpu.memory_space<vmem>> -> memref<2320xf32, #tpu.memory_space<vmem>>
        %dma_start3A_630 = arith.constant 0 : i32
        %dma_start3A_631 = tpu.memref_slice %arg3[%arg0, %dma_start3A_630] : memref<2x10000xf32, #tpu.memory_space<hbm>> -> memref<1x10000xf32, #tpu.memory_space<hbm>>
        %dma_start3A_632 = tpu.memref_squeeze %dma_start3A_631 : memref<1x10000xf32, #tpu.memory_space<hbm>> -> memref<10000xf32, #tpu.memory_space<hbm>>
        %dma_start3A_633 = arith.constant 7680 : i32
        %dma_start3A_634 = tpu.memref_slice %dma_start3A_632[%dma_start3A_633] : memref<10000xf32, #tpu.memory_space<hbm>> -> memref<2320xf32, #tpu.memory_space<hbm>>
        %dma_start3A_635 = arith.constant 0 : i32
        %dma_start3A_636 = tpu.memref_slice %arg3[%arg0, %dma_start3A_635] : memref<2x10000xf32, #tpu.memory_space<hbm>> -> memref<1x10000xf32, #tpu.memory_space<hbm>>
        %dma_start3A_637 = tpu.memref_squeeze %dma_start3A_636 : memref<1x10000xf32, #tpu.memory_space<hbm>> -> memref<10000xf32, #tpu.memory_space<hbm>>
        %dma_start3A_638 = arith.constant 7680 : i32
        %dma_start3A_639 = tpu.memref_slice %dma_start3A_637[%dma_start3A_638] : memref<10000xf32, #tpu.memory_space<hbm>> -> memref<2320xf32, #tpu.memory_space<hbm>>
        %dma_start3A_640 = arith.constant 0 : i32
        %dma_start3A_641 = tpu.memref_slice %arg6[%dma_start3A_640] : memref<2320xf32, #tpu.memory_space<vmem>> -> memref<2320xf32, #tpu.memory_space<vmem>>
        tpu.enqueue_dma source(%dma_start3A_641 : memref<2320xf32, #tpu.memory_space<vmem>>) target(%dma_start3A_639 : memref<2320xf32, #tpu.memory_space<hbm>>) target_semaphore(%run_scoped3A : memref<!tpu.dma_semaphore, #tpu.memory_space<semaphore_mem>>)
        %dma_wait3A = arith.constant 0 : i32
        %dma_wait3A_642 = tpu.memref_slice %arg6[%dma_wait3A] : memref<2320xf32, #tpu.memory_space<vmem>> -> memref<2320xf32, #tpu.memory_space<vmem>>
        %dma_wait3A_643 = arith.constant 0 : i32
        %dma_wait3A_644 = tpu.memref_slice %arg3[%arg0, %dma_wait3A_643] : memref<2x10000xf32, #tpu.memory_space<hbm>> -> memref<1x10000xf32, #tpu.memory_space<hbm>>
        %dma_wait3A_645 = tpu.memref_squeeze %dma_wait3A_644 : memref<1x10000xf32, #tpu.memory_space<hbm>> -> memref<10000xf32, #tpu.memory_space<hbm>>
        %dma_wait3A_646 = arith.constant 7680 : i32
        %dma_wait3A_647 = tpu.memref_slice %dma_wait3A_645[%dma_wait3A_646] : memref<10000xf32, #tpu.memory_space<hbm>> -> memref<2320xf32, #tpu.memory_space<hbm>>
        %dma_wait3A_648 = arith.constant 0 : i32
        %dma_wait3A_649 = tpu.memref_slice %arg3[%arg0, %dma_wait3A_648] : memref<2x10000xf32, #tpu.memory_space<hbm>> -> memref<1x10000xf32, #tpu.memory_space<hbm>>
        %dma_wait3A_650 = tpu.memref_squeeze %dma_wait3A_649 : memref<1x10000xf32, #tpu.memory_space<hbm>> -> memref<10000xf32, #tpu.memory_space<hbm>>
        %dma_wait3A_651 = arith.constant 7680 : i32
        %dma_wait3A_652 = tpu.memref_slice %dma_wait3A_650[%dma_wait3A_651] : memref<10000xf32, #tpu.memory_space<hbm>> -> memref<2320xf32, #tpu.memory_space<hbm>>
        %dma_wait3A_653 = arith.constant 0 : i32
        %dma_wait3A_654 = tpu.memref_slice %arg6[%dma_wait3A_653] : memref<2320xf32, #tpu.memory_space<vmem>> -> memref<2320xf32, #tpu.memory_space<vmem>>
        tpu.wait_dma2 semaphore(%run_scoped3A : memref<!tpu.dma_semaphore, #tpu.memory_space<semaphore_mem>>) src(%dma_wait3A_654 : memref<2320xf32, #tpu.memory_space<vmem>>) dst(%dma_wait3A_652 : memref<2320xf32, #tpu.memory_space<hbm>>)
        tpu.yield
      }) : () -> ()
    } else {
    }
    return
  }
}

</mosaic_0001>

<sc_bundles>
// kernel: _sc_count.3.cloned.1.call-start
scs
__scs_entry_jumppad:
0x0: {  	(pc) =	sbr.rel $0x88, $3  }
0x1: {  	(tag) =	ssettag $0x0;
	lr =	simm.s32 $0x1  }
0x2: {  	[smem:$0x3FA0] =	sst lr;
	_ =	strace $0xD0000000  }
0x3: {  	_ = 	snop  }
0x4: {  	_ = 	snop  }
0x5: {  	_ = 	snop  }
0x6: {  	_ = 	snop  }
0x7: {  	_ = 	snop  }
__scs_overlays_trampoline_lowered:
0x8: {  	[smem:$0x3FAF] =	sst s0  }
0x9: {  	[smem:$0x3FB0] =	sst s1  }
0xa: {  	[smem:$0x3FB1] =	sst s2  }
0xb: {  	[smem:$0x3FB2] =	sst s3  }
0xc: {  	[smem:$0x3FB3] =	sst s4  }
0xd: {  	[smem:$0x3FB4] =	sst s5  }
0xe: {  	[smem:$0x3FB5] =	sst s6  }
0xf: {  	[smem:$0x3FB6] =	sst s7  }
0x10: {  	[smem:$0x3FB7] =	sst s8  }
0x11: {  	[smem:$0x3FB8] =	sst s9;
	s0 =	simm.s32 @!p0 $0x0  }
0x12: {  	s1 =	sld [smem:$0x3F9E];
	s0 =	simm.s32 @p0 $0x1  }
0x13: {  	[smem:$0x3FB9] =	sst s0;
	s0 =	simm.s32 @!p1 $0x0  }
0x14: {  	s2 =	sld [smem:$0x3F9D];
	s0 =	simm.s32 @p1 $0x1  }
0x15: {  	[smem:$0x3FBA] =	sst s0;
	s0 =	simm.s32 @!p2 $0x0  }
0x16: {  	s3 =	sld [smem:$0x3FDB];
	s0 =	simm.s32 @p2 $0x1  }
0x17: {  	s4 =	simm.s32 $0x1BF5;
	[smem:$0x3FBC] =	sst s0  }
0x18: {  	s0 =	sld [smem:$0x3F9F];
	_ =	swait.ge [sflag:s4], $0x0  }
0x19: {  	s7 =	sld [smem:$0x3FA0]  }
0x1a: {  	s8 =	sadd.s32 $0xFFFFE003, lr  }
0x1b: {  	s9 =	sadd.s32 $0xFFFFFEF7, lr;
	s5 =	simm.s32 $0xFFFFFFFF;
	p2 =	slt.u32 s8, $0xFFFFF086  }
0x1c: {  	p1 =	slt.u32 s9, $0xF7A;
	s5 =	simm.s32 @!p2 $0x0  }
0x1d: {  	s5 =	simm.s32 @p1 $0x1;
	p0 =	seq.s32 s7, s2  }
0x1e: {  	s7 =	smul.u32 @!p0 $0xF7A, s2;
	p2 =	seq.s32 @!p0 s5, $0x0  }
0x1f: {  	s9 =	smul.u32 $0xF7A, s1;
	s8 =	simm.s32 @!p0 $0x1BF5;
	p2 =	por !p2, p0  }
0x20: {  	[sflag:s8] =	ssyncset.s32 @!p0 $0xFFFFF086;
	s6 =	sadd.s32 @!p0 s3, s7;
	s7 =	simm.s32 @!p0 $0x108  }
0x21: {  	s3 =	sadd.s32 s3, s9;
	s6 =	sadd.s32 @!p0 $0x88, s6;
	s7 =	simm.s32 @p2 $0x1082  }
0x22: {  	[simem:s7], [sflag:s8] =	dma.local @!p0 [hbm:s6], $0xF7A  }
0x23: {  	s9 =	sor.u32 $0xD0000000, s2;
	s6 =	simm.s32 $0x108;
	_ =	swait.ge @!p0 [sflag:s8], $0x0  }
0x24: {  	s3 =	sadd.s32 $0x88, s3;
	s6 =	simm.s32 @!p1 $0x1082;
	[sflag:s4] =	ssyncset.s32 $0xFFFFF086  }
0x25: {  	[simem:s6], [sflag:s4] =	dma.local [hbm:s3], $0xF7A  }
0x26: {  	[smem:$0x3FA0] =	sst s1;
	(tag) =	ssettag s2;
	_ =	strace s9  }
0x27: {  	s1 =	sld [smem:$0x3FB0]  }
0x28: {  	s2 =	sld [smem:$0x3FB1]  }
0x29: {  	s4 =	sld [smem:$0x3FB3]  }
0x2a: {  	p0 =	seq.s32 s5, $0x0;
	s5 =	sld [smem:$0x3FB4]  }
0x2b: {  	s6 =	sld [smem:$0x3FB5]  }
0x2c: {  	s7 =	sld [smem:$0x3FB6]  }
0x2d: {  	s3 =	simm.s32 $0x108;
	s8 =	sld [smem:$0x3FB7]  }
0x2e: {  	s3 =	simm.s32 @!p0 $0x1082;
	s9 =	sld [smem:$0x3FB8]  }
0x2f: {  	lr =	sadd.s32 s0, s3;
	s0 =	sld [smem:$0x3FAF]  }
0x30: {  	s3 =	sld [smem:$0x3FB2]  }
0x31: {  	[smem:$0x3FBB] =	sst s10  }
0x32: {  	s10 =	sld [smem:$0x3FB9];
	_ =	sdelay $0x3  }
0x33: {  	p0 =	seq.s32 s10, $0x1;
	s10 =	sld [smem:$0x3FBB];
	_ =	sdelay $0x3  }
0x34: {  	[smem:$0x3FBB] =	sst s10  }
0x35: {  	s10 =	sld [smem:$0x3FBA];
	_ =	sdelay $0x3  }
0x36: {  	p1 =	seq.s32 s10, $0x1;
	s10 =	sld [smem:$0x3FBB];
	_ =	sdelay $0x3  }
0x37: {  	[smem:$0x3FBB] =	sst s10  }
0x38: {  	s10 =	sld [smem:$0x3FBC]  }
0x39: {  	_ = 	snop;
	(pc) =	sbr.ind lr, $3  }
0x3a: {  	_ = 	snop  }
0x3b: {  	_ = 	snop  }
0x3c: {  	p2 =	seq.s32 s10, $0x1;
	s10 =	sld [smem:$0x3FBB]  }
0x3d: {  	_ =	shalt  }
0x3e: {  	_ =	shalt  }
0x3f: {  	_ =	shalt  }
0x40: {  	_ =	shalt  }
0x41: {  	_ =	shalt  }
0x42: {  	_ =	shalt  }
0x43: {  	_ =	shalt  }
0x44: {  	_ =	shalt  }
0x45: {  	_ =	shalt  }
0x46: {  	_ =	shalt  }
0x47: {  	_ =	shalt  }
0x48: {  	_ =	shalt  }
0x49: {  	_ =	shalt  }
0x4a: {  	_ =	shalt  }
0x4b: {  	_ =	shalt  }
0x4c: {  	_ =	shalt  }
0x4d: {  	_ =	shalt  }
0x4e: {  	_ =	shalt  }
0x4f: {  	_ =	shalt  }
0x50: {  	_ =	shalt  }
0x51: {  	_ =	shalt  }
0x52: {  	_ =	shalt  }
0x53: {  	_ =	shalt  }
0x54: {  	_ =	shalt  }
0x55: {  	_ =	shalt  }
0x56: {  	_ =	shalt  }
0x57: {  	_ =	shalt  }
0x58: {  	_ =	shalt  }
0x59: {  	_ =	shalt  }
0x5a: {  	_ =	shalt  }
0x5b: {  	_ =	shalt  }
0x5c: {  	_ =	shalt  }
0x5d: {  	_ =	shalt  }
0x5e: {  	_ =	shalt  }
0x5f: {  	_ =	shalt  }
0x60: {  	_ =	shalt  }
0x61: {  	_ =	shalt  }
0x62: {  	_ =	shalt  }
0x63: {  	_ =	shalt  }
0x64: {  	_ =	shalt  }
0x65: {  	_ =	shalt  }
0x66: {  	_ =	shalt  }
0x67: {  	_ =	shalt  }
0x68: {  	_ =	shalt  }
0x69: {  	_ =	shalt  }
0x6a: {  	_ =	shalt  }
0x6b: {  	_ =	shalt  }
0x6c: {  	_ =	shalt  }
0x6d: {  	_ =	shalt  }
0x6e: {  	_ =	shalt  }
0x6f: {  	_ =	shalt  }
0x70: {  	_ =	shalt  }
0x71: {  	_ =	shalt  }
0x72: {  	_ =	shalt  }
0x73: {  	_ =	shalt  }
0x74: {  	_ =	shalt  }
0x75: {  	_ =	shalt  }
0x76: {  	_ =	shalt  }
0x77: {  	_ =	shalt  }
0x78: {  	_ =	shalt  }
0x79: {  	_ =	shalt  }
0x7a: {  	_ =	shalt  }
0x7b: {  	_ =	shalt  }
0x7c: {  	_ =	shalt  }
0x7d: {  	_ =	shalt  }
0x7e: {  	_ =	shalt  }
0x7f: {  	_ =	shalt  }
0x80: {  	_ =	shalt  }
0x81: {  	_ =	shalt  }
0x82: {  	_ =	shalt  }
0x83: {  	_ =	shalt  }
0x84: {  	_ =	shalt  }
0x85: {  	_ =	shalt  }
0x86: {  	_ =	shalt  }
0x87: {  	_ =	shalt  }
.Lfunc_end0:
.L_simem_size_0:
called_computation_lowered:
.L_overlay_start_0:
0x88: {  	s2 =	sld [smem:$0x3FD9]  }
0x89: {  	s3 =	sld [smem:$0x3FFE];
	_ =	sdelay $0x1  }
0x8a: {  	s1 =	srdreg.scid  }
0x8b: {  	s0 =	sand.u32 $0x1, s1  }
0x8c: {  	s18 =	sshll.u32 s0, $0xA;
	s2 =	sadd.s32 s3, s2  }
0x8d: {  	s2 =	sadd.s32 s2, s18  }
0x8e: {  	[smem:$0x3FC7] =	sst s2  }
0x8f: {  	_ = 	snop  }
0x90: {  	s2 =	sld [smem:$0x3FC9]  }
0x91: {  	s19 =	sld [smem:$0x3FD0];
	(tm) =	ssettm $0x1  }
0x92: {  	s4 =	sld [smem:$0x3FFB];
	_ =	sdelay $0x3  }
0x93: {  	_ =	strace s4  }
0x94: {  	s4 =	sld [smem:$0x3FFC];
	_ =	sdelay $0x3  }
0x95: {  	_ =	strace s4  }
0x96: {  	s4 =	sld [smem:$0x3FFD];
	_ =	sdelay $0x3  }
0x97: {  	_ =	strace s4  }
0x98: {  	_ =	strace $0x8FFFFFFF  }
0x99: {  	s20 =	sld [smem:$0x3FDB];
	_ =	sdelay $0x1  }
0x9a: {  	s5 =	simm.s32 $_scs_section_size  }
0x9b: {  	s6 =	simm.s32 $_size__tile_overlayer_lowered;
	s7 =	simm.s32 $_tile_overlayer_lowered  }
0x9c: {  	s23 =	simm.s32 $0x1BFF;
	s22 =	sshll.u32 s7, $0x1;
	s4 =	sadd.s32 s5, s20  }
0x9d: {  	s8 =	simm.s32 $0x0;
	s21 =	sshll.u32 s6, $0x1;
	s6 =	sadd.s32 s22, s4  }
0x9e: {  	[timem:s8], [sflag:s23] =	dma.local [hbm:s6], s21  }
0x9f: {  	_ =	swait.ge [sflag:s23], s21  }
0xa0: {  	s5 =	ssub.s32 $0x0, s21;
	[sflag:s23] =	ssyncset.done $0x0  }
0xa1: {  	[sflag:s23] =	ssyncadd.s32 s5;
	_ =	sdelay $0x1  }
0xa2: {  	s24 =	simm.s32 $0x1B8B  }
0xa3: {  	_ =	swait.ge [sflag:s24], $0x1  }
0xa4: {  	[sflag:s24] =	ssyncset.done $0x0  }
0xa5: {  	s25 =	simm.s32 $0x1B8E;
	[sflag:s24] =	ssyncadd.s32 $0xFFFFFFFF  }
0xa6: {  	s26 =	simm.s32 $execute0_lowered;
	[smem:$0x3FD2] =	sst s25  }
0xa7: {  	s5 =	sshll.u32 s26, $0x1;
	_ =	strace $0x80000046;
	[dreg:$0x1] =	wrdreg $0xFFFFFFFF  }
0xa8: {  	s28 =	simm.s32 $_size_execute0_lowered;
	s4 =	sadd.s32 s4, s5;
	[dreg:$0x0] =	wrdreg $0x0  }
0xa9: {  	s5 =	sshll.u32 s28, $0x1;
	[dreg:$0x2] =	wrdreg s4  }
0xaa: {  	[dreg:$0x3] =	wrdreg s5  }
0xab: {  	[dreg:$0x4] =	wrdreg $0xC0  }
0xac: {  	_ =	task [dreg:s8], $0x5FFFF  }
0xad: {  	[dreg:$0x1] =	wrdreg $0xFFFFFFFF  }
0xae: {  	[dreg:$0x0] =	wrdreg $0x60  }
0xaf: {  	[dreg:$0x2] =	wrdreg s2  }
0xb0: {  	[dreg:$0x3] =	wrdreg s19  }
0xb1: {  	[dreg:$0x4] =	wrdreg $0xA800  }
0xb2: {  	[dreg:$0x5] =	wrdreg $0x9  }
0xb3: {  	_ =	task.clear_ibuf [dreg:s8], $0x6FFFF;
	_ =	strace $0x90000046  }
0xb4: {  	s29 =	simm.s32 $0x9;
	_ =	strace $0x80000048  }
0xb5: {  	_ =	swait.ge [sflag:s29], $0x1  }
0xb6: {  	[sflag:s29] =	ssyncadd.s32 $0xFFFFFFFF  }
0xb7: {  	_ =	strace $0x90000048  }
0xb8: {  	_ =	sfence  }
0xb9: {  	s30 =	sld [smem:$0x0];
	_ =	sdelay $0x2  }
0xba: {  	s31 =	sshll.u32 s1, $0xD;
	s1 =	sshrl.u32 s1, $0x2  }
0xbb: {  	s3 =	sand.u32 $0x4000, s31;
	s1 =	sadd.s32 s1, s30  }
0xbc: {  	s0 =	sor.u32 s3, s0;
	s1 =	sshll.u32 s1, $0x11  }
0xbd: {  	s0 =	sor.u32 s1, s0  }
0xbe: {  	s0 =	sadd.s32 $0x8F2B, s0  }
0xbf: {  	[sflag:s0] =	ssyncadd.remote.s32 $0x1  }
0xc0: {  	_ =	sfence.sel $0xFFFF  }
0xc1: {  	[dreg:$0x0] =	wrdreg $0xFFFFFFFF;
	(pc) =	sbr.abs _section_cstart, $3  }
0xc2: {  	[dreg:$0x1] =	wrdreg $0xFFFFFFFF  }
0xc3: {  	_ =	task.clear_ibuf [dreg:s8], $0x2FFFF;
	_ =	strace $0x9FFFFFFF  }
0xc4: {  	(tm) =	ssettm $0x7FFFFFFF  }
0xc5: {  	_ =	shalt  }
tec
execute0_lowered:
.L_overlay_start_1:
0x0: {  	(tag) =	ssettag $0x1  }
0x1: {  	s7 =	rddreg [dreg:$0x0]  }
0x2: {  	s6 =	rddreg [dreg:$0x1]  }
0x3: {  	s1 =	rddreg [dreg:$0x2]  }
0x4: {  	s0 =	rddreg [dreg:$0x3];
	s3 =	simm.s32 $0x0;
	s2 =	srdreg.scid  }
0x5: {  	[smem:$0x7FF] =	sst s3;
	s4 =	sand.u32 $0x1, s2  }
0x6: {  	s2 =	stileid.u32;
	s5 =	ssub.s32 $0x2, s4;
	s8 =	smul.u32 $0x27100, s4  }
0x7: {  	_ =	strace $0x80000047;
	s10 =	smul.u32 $0x2710, s2;
	s11 =	sshll.u32 s4, $0x4  }
0x8: {  	s31 =	sshll.u32 s2, $0x9;
	s13 =	sshll.u32 s2, $0x7;
	p0 =	seq.s32 s2, $0xF  }
0x9: {  	s9 =	sshrl.u32 s5, $0x1;
	s4 =	sadd.s32 s31, s1;
	s12 =	sadd.s32 s6, s11  }
0xa: {  	s9 =	ssub.s32 s5, s9;
	s5 =	sadd.s32 $0x1E00, s1;
	s8 =	sadd.s32 s10, s8  }
0xb: {  	s10 =	simm.s32 $0x80;
	s11 =	sadd.s32 @p0 $0x780, s12;
	s12 =	sadd.s32 @!p0 s13, s12  }
0xc: {  	s13 =	simm.s32 $0x0;
	s8 =	sshrl.u32 s8, $0x3;
	s6 =	smax.u32 s9, $0x1  }
0xd: {  	v0 =	vimm.f32 $1.000000000e+00;
	v1 =	vimm.f32 $0.0e+00;
	s9 =	simm.s32 $0x50;
	s7 =	sadd.s32 s8, s7;
	s8 =	simm.s32 $0x1  }
.LBB2_1:
0xe: {  	[tilespmem:$0x80] =	vst v0  }
0xf: {  	[tilespmem:$0x90] =	vst v0  }
0x10: {  	[tilespmem:$0xA0] =	vst v0  }
0x11: {  	[tilespmem:$0xB0] =	vst v0  }
0x12: {  	[tilespmem:$0xC0] =	vst v0  }
0x13: {  	[tilespmem:$0x100] =	vst v1  }
0x14: {  	[tilespmem:$0x110] =	vst v1  }
0x15: {  	[tilespmem:$0x120] =	vst v1  }
0x16: {  	[tilespmem:$0x130] =	vst v1  }
0x17: {  	[tilespmem:$0x140] =	vst v1  }
0x18: {  	[tilespmem:$0x150] =	vst v1  }
0x19: {  	[tilespmem:$0x160] =	vst v1  }
0x1a: {  	[tilespmem:$0x170] =	vst v1  }
0x1b: {  	[tilespmem:$0x180] =	vst v1  }
0x1c: {  	[tilespmem:$0x190] =	vst v1  }
0x1d: {  	[tilespmem:$0x1A0] =	vst v1  }
0x1e: {  	[tilespmem:$0x1B0] =	vst v1  }
0x1f: {  	[tilespmem:$0x1C0] =	vst v1  }
0x20: {  	[tilespmem:$0x1D0] =	vst v1  }
0x21: {  	[tilespmem:$0x1E0] =	vst v1  }
0x22: {  	[tilespmem:$0x1F0] =	vst v1  }
0x23: {  	[tilespmem:$0x200] =	vst v1  }
0x24: {  	[tilespmem:$0x210] =	vst v1  }
0x25: {  	[tilespmem:$0x220] =	vst v1  }
0x26: {  	[tilespmem:$0x230] =	vst v1  }
0x27: {  	[tilespmem:$0x240] =	vst v1  }
0x28: {  	[tilespmem:$0x250] =	vst v1  }
0x29: {  	[tilespmem:$0x260] =	vst v1  }
0x2a: {  	[tilespmem:$0x270] =	vst v1  }
0x2b: {  	[tilespmem:$0x280] =	vst v1  }
0x2c: {  	[tilespmem:$0x290] =	vst v1  }
0x2d: {  	[tilespmem:$0x2A0] =	vst v1  }
0x2e: {  	[tilespmem:$0x2B0] =	vst v1  }
0x2f: {  	[tilespmem:$0x2C0] =	vst v1  }
0x30: {  	[tilespmem:$0x2D0] =	vst v1  }
0x31: {  	[tilespmem:$0x2E0] =	vst v1  }
0x32: {  	[tilespmem:$0x2F0] =	vst v1  }
0x33: {  	[tilespmem:$0x300] =	vst v1  }
0x34: {  	[tilespmem:$0x310] =	vst v1  }
0x35: {  	[tilespmem:$0x320] =	vst v1  }
0x36: {  	[tilespmem:$0x330] =	vst v1  }
0x37: {  	[tilespmem:$0x340] =	vst v1  }
0x38: {  	[tilespmem:$0x350] =	vst v1  }
0x39: {  	[tilespmem:$0x360] =	vst v1  }
0x3a: {  	[tilespmem:$0x370] =	vst v1  }
0x3b: {  	[tilespmem:$0x380] =	vst v1  }
0x3c: {  	[tilespmem:$0x390] =	vst v1  }
0x3d: {  	[tilespmem:$0x3A0] =	vst v1  }
0x3e: {  	[tilespmem:$0x3B0] =	vst v1  }
0x3f: {  	[tilespmem:$0x3C0] =	vst v1  }
0x40: {  	[tilespmem:$0x3D0] =	vst v1  }
0x41: {  	[tilespmem:$0x3E0] =	vst v1  }
0x42: {  	[tilespmem:$0x3F0] =	vst v1  }
0x43: {  	[tilespmem:$0x400] =	vst v1  }
0x44: {  	[tilespmem:$0x410] =	vst v1  }
0x45: {  	[tilespmem:$0x420] =	vst v1  }
0x46: {  	[tilespmem:$0x430] =	vst v1  }
0x47: {  	[tilespmem:$0x440] =	vst v1  }
0x48: {  	[tilespmem:$0x450] =	vst v1  }
0x49: {  	[tilespmem:$0x460] =	vst v1  }
0x4a: {  	[tilespmem:$0x470] =	vst v1  }
0x4b: {  	[tilespmem:$0x480] =	vst v1  }
0x4c: {  	[tilespmem:$0x490] =	vst v1  }
0x4d: {  	[tilespmem:$0x4A0] =	vst v1  }
0x4e: {  	[tilespmem:$0x4B0] =	vst v1  }
0x4f: {  	[tilespmem:$0x4C0] =	vst v1  }
0x50: {  	[tilespmem:$0x4D0] =	vst v1  }
0x51: {  	[tilespmem:$0x4E0] =	vst v1  }
0x52: {  	[tilespmem:$0x4F0] =	vst v1  }
0x53: {  	[tilespmem:$0x500] =	vst v1  }
0x54: {  	[tilespmem:$0x510] =	vst v1  }
0x55: {  	[tilespmem:$0x520] =	vst v1  }
0x56: {  	[tilespmem:$0x530] =	vst v1  }
0x57: {  	[tilespmem:$0x540] =	vst v1  }
0x58: {  	[tilespmem:$0x550] =	vst v1  }
0x59: {  	[tilespmem:$0x560] =	vst v1  }
0x5a: {  	[tilespmem:$0x570] =	vst v1  }
0x5b: {  	[tilespmem:$0x580] =	vst v1  }
0x5c: {  	[tilespmem:$0x590] =	vst v1  }
0x5d: {  	[tilespmem:$0x5A0] =	vst v1  }
0x5e: {  	[tilespmem:$0x5B0] =	vst v1  }
0x5f: {  	[tilespmem:$0x5C0] =	vst v1  }
0x60: {  	[tilespmem:$0x5D0] =	vst v1  }
0x61: {  	[tilespmem:$0x5E0] =	vst v1  }
0x62: {  	[tilespmem:$0x5F0] =	vst v1  }
0x63: {  	[tilespmem:$0x600] =	vst v1  }
0x64: {  	[tilespmem:$0x610] =	vst v1  }
0x65: {  	[tilespmem:$0x620] =	vst v1  }
0x66: {  	[tilespmem:$0x630] =	vst v1  }
0x67: {  	[tilespmem:$0x640] =	vst v1  }
0x68: {  	[tilespmem:$0x650] =	vst v1  }
0x69: {  	[tilespmem:$0x660] =	vst v1  }
0x6a: {  	[tilespmem:$0x670] =	vst v1  }
0x6b: {  	[tilespmem:$0x680] =	vst v1  }
0x6c: {  	[tilespmem:$0x690] =	vst v1  }
0x6d: {  	[tilespmem:$0x6A0] =	vst v1  }
0x6e: {  	[tilespmem:$0x6B0] =	vst v1  }
0x6f: {  	[tilespmem:$0x6C0] =	vst v1  }
0x70: {  	[tilespmem:$0x6D0] =	vst v1  }
0x71: {  	[tilespmem:$0x6E0] =	vst v1  }
0x72: {  	[tilespmem:$0x6F0] =	vst v1  }
0x73: {  	[tilespmem:$0x700] =	vst v1  }
0x74: {  	[tilespmem:$0x710] =	vst v1  }
0x75: {  	[tilespmem:$0x720] =	vst v1  }
0x76: {  	[tilespmem:$0x730] =	vst v1  }
0x77: {  	[tilespmem:$0x740] =	vst v1  }
0x78: {  	[tilespmem:$0x750] =	vst v1  }
0x79: {  	[tilespmem:$0x760] =	vst v1  }
0x7a: {  	[tilespmem:$0x770] =	vst v1  }
0x7b: {  	[tilespmem:$0x780] =	vst v1  }
0x7c: {  	[tilespmem:$0x790] =	vst v1  }
0x7d: {  	[tilespmem:$0x7A0] =	vst v1  }
0x7e: {  	[tilespmem:$0x7B0] =	vst v1  }
0x7f: {  	[tilespmem:$0x7C0] =	vst v1  }
0x80: {  	[tilespmem:$0x7D0] =	vst v1  }
0x81: {  	[tilespmem:$0x7E0] =	vst v1  }
0x82: {  	[tilespmem:$0x7F0] =	vst v1  }
0x83: {  	[tilespmem:$0x800] =	vst v1  }
0x84: {  	[tilespmem:$0x810] =	vst v1  }
0x85: {  	[tilespmem:$0x820] =	vst v1  }
0x86: {  	[tilespmem:$0x830] =	vst v1  }
0x87: {  	[tilespmem:$0x840] =	vst v1  }
0x88: {  	[tilespmem:$0x850] =	vst v1  }
0x89: {  	[tilespmem:$0x860] =	vst v1  }
0x8a: {  	[tilespmem:$0x870] =	vst v1  }
0x8b: {  	[tilespmem:$0x880] =	vst v1  }
0x8c: {  	[tilespmem:$0x890] =	vst v1  }
0x8d: {  	[tilespmem:$0x8A0] =	vst v1  }
0x8e: {  	[tilespmem:$0x8B0] =	vst v1  }
0x8f: {  	[tilespmem:$0x8C0] =	vst v1  }
0x90: {  	[tilespmem:$0x8D0] =	vst v1  }
0x91: {  	[tilespmem:$0x8E0] =	vst v1  }
0x92: {  	[tilespmem:$0x8F0] =	vst v1  }
0x93: {  	[tilespmem:$0x900] =	vst v1  }
0x94: {  	[tilespmem:$0x910] =	vst v1  }
0x95: {  	[tilespmem:$0x920] =	vst v1  }
0x96: {  	[tilespmem:$0x930] =	vst v1  }
0x97: {  	[tilespmem:$0x940] =	vst v1  }
0x98: {  	[tilespmem:$0x950] =	vst v1  }
0x99: {  	[tilespmem:$0x960] =	vst v1  }
0x9a: {  	[tilespmem:$0x970] =	vst v1  }
0x9b: {  	[tilespmem:$0x980] =	vst v1  }
0x9c: {  	[tilespmem:$0x990] =	vst v1  }
0x9d: {  	[tilespmem:$0x9A0] =	vst v1  }
0x9e: {  	[tilespmem:$0x9B0] =	vst v1  }
0x9f: {  	[tilespmem:$0x9C0] =	vst v1  }
0xa0: {  	[tilespmem:$0x9D0] =	vst v1  }
0xa1: {  	[tilespmem:$0x9E0] =	vst v1  }
0xa2: {  	[tilespmem:$0x9F0] =	vst v1  }
0xa3: {  	[tilespmem:$0xA00] =	vst v1;
	s14 =	simm.s32 @p0 $0x100  }
0xa4: {  	[spmem:s5] =	stream.linear.scatter @p0 [tilespmem:s14], [sflag:$0x1], $0x910, $0x38;
	[tilespmem:$0xCF8] =	vst v63  }
0xa5: {  	s14 =	simm.s32 @p0 $0x1  }
0xa6: {  	_ =	swait.ge @p0 [sflag:s14], $0x910  }
0xa7: {  	[sflag:s14] =	ssyncset.done @p0 $0x0  }
0xa8: {  	[sflag:s14] =	ssyncadd.s32 @p0 $0xFFFFF6F0;
	s14 =	simm.s32 @!p0 $0x100  }
0xa9: {  	[spmem:s4] =	stream.linear.scatter @!p0 [tilespmem:s14], [sflag:$0x1], $0x200, $0x38;
	[tilespmem:$0xCF8] =	vst v63  }
0xaa: {  	s14 =	simm.s32 @!p0 $0x1  }
0xab: {  	_ =	swait.ge @!p0 [sflag:s14], $0x200  }
0xac: {  	[sflag:s14] =	ssyncset.done @!p0 $0x0  }
0xad: {  	[sflag:s14] =	ssyncadd.s32 @!p0 $0xFFFFFE00  }
0xae: {  	s31 =	sadd.s32 $0x0, s7;
	[bflag:$0x0] =	sbarrier.arrive $0xFFFF  }
0xaf: {  	[tilespmem:s3], [sflag:$0x1] =	stream.linear.gather [hbm4b:s31+s3], $0x50, $0x38;
	[tilespmem:$0xCF8] =	vst v63  }
0xb0: {  	_ =	swait.ge [sflag:s8], $0x50  }
0xb1: {  	[sflag:s8] =	ssyncset.done $0x0  }
0xb2: {  	[sflag:s8] =	ssyncadd.s32 $0xFFFFFFB0  }
0xb3: {  	[spmem:s1] =	stream.indirect.scatter.add.f32 [tilespmem:s10], [sflag:$0x1], $0x1, s3, s9, $0xb8;
	[tilespmem:$0xCF8] =	vst v63  }
0xb4: {  	_ =	swait.ge [sflag:s8], $0x50  }
0xb5: {  	s15 =	simm.s32 $0x14;
	s14 =	simm.s32 $0xA;
	[sflag:s8] =	ssyncset.done $0x0  }
.LBB2_2:
0xb6: {  	s16 =	sadd.s32 s14, s7  }
0xb7: {  	[sflag:s8] =	ssyncadd.s32 $0xFFFFFFB0;
	s14 =	smov.u32 s15;
	s17 =	sadd.s32 $0xA, s15  }
0xb8: {  	[tilespmem:s3], [sflag:$0x1] =	stream.linear.gather [hbm4b:s16+s3], $0x50, $0x38;
	[tilespmem:$0xCF8] =	vst v63  }
0xb9: {  	p1 =	sne.s32 s15, $0x4D8;
	_ =	swait.ge [sflag:s8], $0x50  }
.Ltmp0:
0xba: {  	[sflag:s8] =	ssyncset.done $0x0;
	(pc) =	sbr.rel @p1 .LBB2_2-.Ltmp0, $4  }
0xbb: {  	[sflag:s8] =	ssyncadd.s32 $0xFFFFFFB0  }
0xbc: {  	[spmem:s1] =	stream.indirect.scatter.add.f32 [tilespmem:s10], [sflag:$0x1], $0x1, s3, s9, $0xb8;
	[tilespmem:$0xCF8] =	vst v63  }
0xbd: {  	_ =	swait.ge [sflag:s8], $0x50  }
0xbe: {  	s15 =	smov.u32 s17;
	[sflag:s8] =	ssyncset.done $0x0  }
0xbf: {  	s14 =	sadd.s32 s14, s7;
	[sflag:s8] =	ssyncadd.s32 $0xFFFFFFB0  }
0xc0: {  	[tilespmem:s3], [sflag:$0x1] =	stream.linear.gather [hbm4b:s14+s3], $0x50, $0x38;
	[tilespmem:$0xCF8] =	vst v63  }
0xc1: {  	_ =	swait.ge [sflag:s8], $0x50  }
0xc2: {  	[sflag:s8] =	ssyncset.done $0x0  }
0xc3: {  	[sflag:s8] =	ssyncadd.s32 $0xFFFFFFB0  }
0xc4: {  	[spmem:s1] =	stream.indirect.scatter.add.f32 [tilespmem:s10], [sflag:$0x1], $0x1, s3, s9, $0xb8;
	[tilespmem:$0xCF8] =	vst v63  }
0xc5: {  	_ =	swait.ge [sflag:s8], $0x50  }
0xc6: {  	[sflag:s8] =	ssyncset.done $0x0  }
0xc7: {  	[sflag:s8] =	ssyncadd.s32 $0xFFFFFFB0  }
0xc8: {  	s15 =	simm.s32 @p0 $0x1;
	s14 =	simm.s32 @p0 $0x100;
	[bflag:$0x0] =	sbarrier.arrive $0xFFFF  }
0xc9: {  	[tilespmem:s14], [sflag:$0x1] =	stream.linear.gather @p0 [spmem:s5], $0x910, $0x38;
	[tilespmem:$0xCF8] =	vst v63  }
0xca: {  	_ =	swait.ge @p0 [sflag:s15], $0x910  }
0xcb: {  	[sflag:s15] =	ssyncset.done @p0 $0x0  }
0xcc: {  	s16 =	simm.s32 @p0 $0x80;
	[sflag:s15] =	ssyncadd.s32 @p0 $0xFFFFF6F0  }
0xcd: {  	[hbm4b:s11+s16] =	stream.strided.scatter @p0 [tilespmem:s14], [sflag:$0x1], $0x980, s14, s16, $0x38;
	[tilespmem:$0xCF8] =	vst v63  }
0xce: {  	_ =	swait.ge @p0 [sflag:s15], $0x980  }
0xcf: {  	[sflag:s15] =	ssyncset.done @p0 $0x0  }
0xd0: {  	s14 =	simm.s32 @!p0 $0x100;
	[sflag:s15] =	ssyncadd.s32 @p0 $0xFFFFF680;
	s15 =	simm.s32 @!p0 $0x1  }
0xd1: {  	[tilespmem:s14], [sflag:$0x1] =	stream.linear.gather @!p0 [spmem:s4], $0x200, $0x38;
	[tilespmem:$0xCF8] =	vst v63  }
0xd2: {  	s13 =	sadd.s32 $0x1, s13;
	_ =	swait.ge @!p0 [sflag:s15], $0x200  }
0xd3: {  	p1 =	sne.s32 s13, s6;
	[sflag:s15] =	ssyncset.done @!p0 $0x0  }
.Ltmp1:
0xd4: {  	s16 =	simm.s32 @!p0 $0x80;
	[sflag:s15] =	ssyncadd.s32 @!p0 $0xFFFFFE00;
	(pc) =	sbr.rel @p1 .LBB2_1-.Ltmp1, $4  }
0xd5: {  	[hbm4b:s12+s16] =	stream.strided.scatter @!p0 [tilespmem:s14], [sflag:$0x1], $0x200, s14, s16, $0x38;
	[tilespmem:$0xCF8] =	vst v63  }
0xd6: {  	_ =	swait.ge @!p0 [sflag:s15], $0x200  }
0xd7: {  	[sflag:s15] =	ssyncset.done @!p0 $0x0  }
0xd8: {  	[sflag:s15] =	ssyncadd.s32 @!p0 $0xFFFFFE00  }
0xd9: {  	_ =	sfence.sel $0x180000  }
0xda: {  	[bflag:$0x0] =	sbarrier.arrive $0xFFFF  }
0xdb: {  	p0 =	sne.s32 s2, $0x0;
	_ =	strace $0x90000047  }
0xdc: {  	s0 =	sadd.s32 @!p0 $0x100000, s0;
	[bflag:$0x2] =	sbarrier.arrive $0xFFFF  }
0xdd: {  	[sflag:s0] =	ssyncadd.tile.s32 @!p0 $0x1;
	_ =	shalt  }
.Lfunc_end2:
_tile_overlayer_lowered:
.L_overlay_start_2:
0xde: {  	(tag) =	ssettag $0x2  }
0xdf: {  	s0 =	rddreg [dreg:$0x0];
	s2 =	stileid.u32  }
0xe0: {  	s1 =	rddreg [dreg:$0x1];
	p0 =	sne.s32 s2, $0x0  }
0xe1: {  	s3 =	rddreg [dreg:$0x2];
	[bflag:$0x3] =	sbarrier.arrive $0xFFFF;
	s2 =	simm.s32 @!p0 $0x1C01  }
0xe2: {  	[timem:s3], [sflag:s2] =	dma.local @!p0 [hbm:s0], s1  }
0xe3: {  	s0 =	simm.s32 @!p0 $0x1  }
0xe4: {  	_ =	swait.ge @!p0 [sflag:s0], s1  }
0xe5: {  	s1 =	ssub.s32 @!p0 $0x0, s1;
	[sflag:s0] =	ssyncset.done @!p0 $0x0  }
0xe6: {  	[sflag:s0] =	ssyncadd.s32 @!p0 s1  }
0xe7: {  	[bflag:$0x3] =	sbarrier.arrive $0xFFFF  }
0xe8: {  	_ =	shalt  }

</sc_bundles>
